<compile_context>
chip_gen: v7x
topology: tpu7x:2x2x1
jax: 0.10.2.dev20260603
libtpu: 0.0.44.dev20260713+nightly
codegen_flags: <defaults>
</compile_context>

<pallas_src>
import functools

import jax
import jax.numpy as jnp
from jax import lax
from jax.experimental import pallas as pl
from jax.experimental.pallas import tpu as pltpu
from jax.experimental.pallas import tpu_sc as plsc

N_NODES = 10000
N_EDGES = 320000
FDIM = 128
NHEADS = 8

CHUNK = 64
NCHUNKS = N_EDGES // CHUNK
NCORES = 2
NSUB = 16
NWORKERS = NCORES * NSUB
NT = -(-NCHUNKS // NWORKERS)
NTRIPLES = -(-NT // 3)
ACC_ROWS = 10240
ROWS_PER_TILE = ACC_ROWS // NSUB
NODE_BLK = 400



def _scores_body(x_ref, w2_ref, bu_ref, u2_ref, v2_ref):
    xb = x_ref[...]
    uv = jnp.dot(xb, w2_ref[...],
                 preferred_element_type=jnp.float32)
    u = uv[:, :NHEADS] + bu_ref[...]
    v = uv[:, NHEADS:]
    u2_ref[...] = jnp.concatenate([u, u], axis=1)
    v2_ref[...] = jnp.concatenate([v, v], axis=1)


def _scores(x, w2, bu2):
    return pl.pallas_call(
        _scores_body,
        grid=(N_NODES // NODE_BLK,),
        in_specs=[
            pl.BlockSpec((NODE_BLK, FDIM), lambda i: (i, 0)),
            pl.BlockSpec((FDIM, 2 * NHEADS), lambda i: (0, 0)),
            pl.BlockSpec((1, NHEADS), lambda i: (0, 0)),
        ],
        out_specs=[
            pl.BlockSpec((NODE_BLK, 2 * NHEADS), lambda i: (i, 0)),
            pl.BlockSpec((NODE_BLK, 2 * NHEADS), lambda i: (i, 0)),
        ],
        out_shape=[
            jax.ShapeDtypeStruct((N_NODES, 2 * NHEADS), jnp.float32),
            jax.ShapeDtypeStruct((N_NODES, 2 * NHEADS), jnp.float32),
        ],
    )(x, w2, bu2)



def _edge_body(x_hbm, u2_hbm, v2_hbm, src_hbm, dst_hbm,
               acc_hbm, z_hbm,
               sidx0, sidx1, sidx2, didx0, didx1, didx2,
               dscat0, dscat1, dscat2,
               su0, su1, su2, sv0, sv1, sv2, xr0, xr1, xr2,
               acc_sh, z_sh,
               semi0, semi1, semi2, semg0, semg1, semg2,
               sems0, sems1, sems2):
    c = lax.axis_index("c")
    s = lax.axis_index("s")
    wid = c * NSUB + s
    sidx = (sidx0, sidx1, sidx2)
    didx = (didx0, didx1, didx2)
    dscat = (dscat0, dscat1, dscat2)
    su = (su0, su1, su2)
    sv = (sv0, sv1, sv2)
    xr = (xr0, xr1, xr2)
    semi = (semi0, semi1, semi2)
    semg = (semg0, semg1, semg2)
    sems = (sems0, sems1, sems2)

    def cid(t):
        return t * NWORKERS + wid

    def valid(t):
        i = cid(t)
        return jnp.logical_and(i >= 0, i < NCHUNKS)

    def issue_idx(t, p):
        @pl.when(valid(t))
        def _():
            off = cid(t) * CHUNK
            pltpu.async_copy(src_hbm.at[pl.ds(off, CHUNK)], sidx[p], semi[p])
            pltpu.async_copy(dst_hbm.at[pl.ds(off, CHUNK)], didx[p], semi[p])

    def wait_idx(t, p):
        @pl.when(valid(t))
        def _():
            off = cid(t) * CHUNK
            pltpu.make_async_copy(
                src_hbm.at[pl.ds(off, CHUNK)], sidx[p], semi[p]).wait()
            pltpu.make_async_copy(
                dst_hbm.at[pl.ds(off, CHUNK)], didx[p], semi[p]).wait()

    def issue_gather(t, p):
        @pl.when(valid(t))
        def _():
            pltpu.async_copy(u2_hbm.at[sidx[p]], su[p], semg[p])
            pltpu.async_copy(v2_hbm.at[didx[p]], sv[p], semg[p])
            pltpu.async_copy(x_hbm.at[sidx[p]], xr[p], semg[p])

    def wait_gather(t, p):
        @pl.when(valid(t))
        def _():
            pltpu.make_async_copy(u2_hbm.at[sidx[p]], su[p], semg[p]).wait()
            pltpu.make_async_copy(v2_hbm.at[didx[p]], sv[p], semg[p]).wait()
            pltpu.make_async_copy(x_hbm.at[sidx[p]], xr[p], semg[p]).wait()

    def compute(t, p):
        @pl.when(valid(t))
        def _():
            for k in range(CHUNK // 16):
                dscat[p][pl.ds(k * 16, 16)] = didx[p][pl.ds(k * 16, 16)]

            pass

    def issue_scatter(t, p):
        @pl.when(valid(t))
        def _():
            pltpu.async_copy(xr[p], acc_sh.at[dscat[p]], sems[p], add=True)
            pltpu.async_copy(su[p], z_sh.at[dscat[p]], sems[p], add=True)

    def wait_scatter(t, p):
        @pl.when(valid(t))
        def _():
            pltpu.make_async_copy(xr[p], acc_sh.at[dscat[p]], sems[p]).wait()
            pltpu.make_async_copy(su[p], z_sh.at[dscat[p]], sems[p]).wait()

    z16 = jnp.zeros((16,), jnp.float32)

    def _zrow(i, carry):
        for k in range(FDIM // 16):
            xr0[i, pl.ds(k * 16, 16)] = z16
        su0[i, :] = z16
        return carry

    lax.fori_loop(0, CHUNK, _zrow, 0)

    base = s * ROWS_PER_TILE
    for j in range(ROWS_PER_TILE // CHUNK):
        pltpu.sync_copy(xr0, acc_sh.at[pl.ds(base + j * CHUNK, CHUNK)])
        pltpu.sync_copy(su0, z_sh.at[pl.ds(base + j * CHUNK, CHUNK)])
    plsc.subcore_barrier()

    issue_idx(0, 0)
    wait_idx(0, 0)
    issue_gather(0, 0)
    issue_idx(1, 1)

    def _step(t, p):
        wait_idx(t + 1, (p + 1) % 3)
        wait_scatter(t - 2, (p + 1) % 3)
        issue_gather(t + 1, (p + 1) % 3)
        wait_gather(t, p)
        compute(t, p)
        issue_idx(t + 2, (p + 2) % 3)
        issue_scatter(t, p)

    def _triple(t3, carry):
        t = 3 * t3
        _step(t, 0)
        _step(t + 1, 1)
        _step(t + 2, 2)
        return carry

    lax.fori_loop(0, NTRIPLES, _triple, 0)
    plsc.subcore_barrier()

    pltpu.sync_copy(acc_sh.at[pl.ds(base, ROWS_PER_TILE)],
                    acc_hbm.at[c, pl.ds(base, ROWS_PER_TILE)])
    pltpu.sync_copy(z_sh.at[pl.ds(base, ROWS_PER_TILE)],
                    z_hbm.at[c, pl.ds(base, ROWS_PER_TILE)])


_edge_call = functools.partial(
    pl.kernel,
    mesh=plsc.VectorSubcoreMesh(core_axis_name="c", subcore_axis_name="s"),
    compiler_params=pltpu.CompilerParams(use_tc_tiling_on_sc=False),
    out_type=[
        jax.ShapeDtypeStruct((NCORES, ACC_ROWS, FDIM), jnp.float32),
        jax.ShapeDtypeStruct((NCORES, ACC_ROWS, 2 * NHEADS), jnp.float32),
    ],
    scratch_types=(
        [pltpu.VMEM((CHUNK,), jnp.int32) for _ in range(9)]
        + [pltpu.VMEM((CHUNK, 2 * NHEADS), jnp.float32) for _ in range(6)]
        + [pltpu.VMEM((CHUNK, FDIM), jnp.float32) for _ in range(3)]
        + [pltpu.VMEM_SHARED((ACC_ROWS, FDIM), jnp.float32),
           pltpu.VMEM_SHARED((ACC_ROWS, 2 * NHEADS), jnp.float32)]
        + [pltpu.SemaphoreType.DMA for _ in range(9)]
    ),
)(_edge_body)



def _combine_body(acc_ref, z_ref, out_ref):
    a = acc_ref[0] + acc_ref[1]
    zz = z_ref[0] + z_ref[1]
    zt = jnp.tile(zz, (1, FDIM // (2 * NHEADS)))
    out_ref[...] = jnp.where(zt > 0, a / zt, 0.0)


def _combine(acc, z):
    return pl.pallas_call(
        _combine_body,
        grid=(N_NODES // NODE_BLK,),
        in_specs=[
            pl.BlockSpec((NCORES, NODE_BLK, FDIM), lambda i: (0, i, 0)),
            pl.BlockSpec((NCORES, NODE_BLK, 2 * NHEADS), lambda i: (0, i, 0)),
        ],
        out_specs=pl.BlockSpec((NODE_BLK, FDIM), lambda i: (i, 0)),
        out_shape=jax.ShapeDtypeStruct((N_NODES, FDIM), jnp.float32),
    )(acc, z)



@jax.jit
def kernel(x, edge_index, Wu, bu, Wv):
    src = edge_index[0]
    dst = edge_index[1]
    w2 = jnp.concatenate([Wu.T, Wv.T], axis=1)
    bu2 = bu.reshape(1, NHEADS)
    u2, v2 = _scores(x, w2, bu2)
    acc, z = _edge_call(x, u2, v2, src, dst)
    return _combine(acc, z)

# --- scband reference (transcript-rebuilt; emitter-appended) ---
"""Pipeline reference for scband-graph-attn-gataggregation-66331474920030 (READ-ONLY COPY).

The authoritative reference and input builder live on the scoring server;
editing this copy changes nothing except your own understanding.
"""

import jax, jax.numpy as jnp
import numpy as np

N = 10000
E = 320000
DIM = 128
H = 8
HEAD_DIM = DIM // H


def setup_inputs(seed: int = 0) -> dict:
    key = jax.random.key(seed)
    k1, k2, k3, k4, k5 = jax.random.split(key, 5)
    x = jax.random.normal(k1, (N, DIM), dtype=jnp.float32)
    edge_index = jax.random.randint(k2, (2, E), 0, N, dtype=jnp.int32)
    # Learned parameters (nn.Linear(dim, num_heads) stores weight [num_heads, dim])
    Wu = jax.random.normal(k3, (H, DIM), dtype=jnp.float32) * 0.05
    bu = jnp.zeros((H,), dtype=jnp.float32)
    Wv = jax.random.normal(k4, (H, DIM), dtype=jnp.float32) * 0.05
    return {"x": x, "edge_index": edge_index, "Wu": Wu, "bu": bu, "Wv": Wv}


def reference(x, edge_index, Wu, bu, Wv):
    n = x.shape[0]
    dim = x.shape[1]
    num_heads = Wu.shape[0]
    head_dim = dim // num_heads
    src = edge_index[0]
    dst = edge_index[1]
    # attn_linear_u / attn_linear_v
    attn_scores_u = x @ Wu.T + bu          # [N, H]
    attn_scores_v = x @ Wv.T               # [N, H]
    # ops.u_add_v: per-edge sum of src-node and dst-node scores
    attn_scores = attn_scores_u[src] + attn_scores_v[dst]  # [E, H]
    # LeakyReLU(0.2)
    attn_scores = jnp.where(attn_scores > 0, attn_scores, 0.2 * attn_scores)
    # ops.edge_softmax: softmax over incoming edges of each destination node
    seg_max = jax.ops.segment_max(attn_scores, dst, num_segments=n)  # [N, H]
    e = jnp.exp(attn_scores - seg_max[dst])                          # [E, H]
    seg_sum = jax.ops.segment_sum(e, dst, num_segments=n)            # [N, H]
    attn_probs = e / seg_sum[dst]                                    # [E, H]
    # x.reshape(-1, head_dim, num_heads)
    xr = x.reshape(n, head_dim, num_heads)
    # ops.u_mul_e_sum: gather src features, weight by edge probs, scatter-add to dst
    msg = xr[src] * attn_probs[:, None, :]                           # [E, head_dim, H]
    x_aggregated = jax.ops.segment_sum(msg, dst, num_segments=n)     # [N, head_dim, H]
    return x_aggregated.reshape(n, dim)

if __name__ == "__main__":
    import jax
    _d = setup_inputs()
    print(jax.jit(kernel)(*tuple(_d.values())))

</pallas_src>

<mosaic_0001>
#map = affine_map<(d0, d1) -> (0, 0)>
#map1 = affine_map<(d0, d1) -> (0)>
#map2 = affine_map<(d0, d1) -> (0, 0, 0)>
module attributes {stable_mosaic.version = 14 : i64} {
  func.func @_edge_body(%arg0: i32, %arg1: i32, %arg2: memref<10000x128xf32, #tpu.memory_space<hbm>>, %arg3: memref<10000x16xf32, #tpu.memory_space<hbm>>, %arg4: memref<10000x16xf32, #tpu.memory_space<hbm>>, %arg5: memref<320000xi32, #tpu.memory_space<hbm>>, %arg6: memref<320000xi32, #tpu.memory_space<hbm>>, %arg7: memref<2x10240x128xf32, #tpu.memory_space<hbm>>, %arg8: memref<2x10240x16xf32, #tpu.memory_space<hbm>>, %arg9: memref<64xi32, #tpu.memory_space<vmem>>, %arg10: memref<64xi32, #tpu.memory_space<vmem>>, %arg11: memref<64xi32, #tpu.memory_space<vmem>>, %arg12: memref<64xi32, #tpu.memory_space<vmem>>, %arg13: memref<64xi32, #tpu.memory_space<vmem>>, %arg14: memref<64xi32, #tpu.memory_space<vmem>>, %arg15: memref<64xi32, #tpu.memory_space<vmem>>, %arg16: memref<64xi32, #tpu.memory_space<vmem>>, %arg17: memref<64xi32, #tpu.memory_space<vmem>>, %arg18: memref<64x16xf32, #tpu.memory_space<vmem>>, %arg19: memref<64x16xf32, #tpu.memory_space<vmem>>, %arg20: memref<64x16xf32, #tpu.memory_space<vmem>>, %arg21: memref<64x16xf32, #tpu.memory_space<vmem>>, %arg22: memref<64x16xf32, #tpu.memory_space<vmem>>, %arg23: memref<64x16xf32, #tpu.memory_space<vmem>>, %arg24: memref<64x128xf32, #tpu.memory_space<vmem>>, %arg25: memref<64x128xf32, #tpu.memory_space<vmem>>, %arg26: memref<64x128xf32, #tpu.memory_space<vmem>>, %arg27: memref<10240x128xf32, #tpu.memory_space<vmem_shared>>, %arg28: memref<10240x16xf32, #tpu.memory_space<vmem_shared>>, %arg29: memref<!tpu.dma_semaphore, #tpu.memory_space<semaphore_mem>>, %arg30: memref<!tpu.dma_semaphore, #tpu.memory_space<semaphore_mem>>, %arg31: memref<!tpu.dma_semaphore, #tpu.memory_space<semaphore_mem>>, %arg32: memref<!tpu.dma_semaphore, #tpu.memory_space<semaphore_mem>>, %arg33: memref<!tpu.dma_semaphore, #tpu.memory_space<semaphore_mem>>, %arg34: memref<!tpu.dma_semaphore, #tpu.memory_space<semaphore_mem>>, %arg35: memref<!tpu.dma_semaphore, #tpu.memory_space<semaphore_mem>>, %arg36: memref<!tpu.dma_semaphore, #tpu.memory_space<semaphore_mem>>, %arg37: memref<!tpu.dma_semaphore, #tpu.memory_space<semaphore_mem>>) attributes {dimension_semantics = [#tpu.dimension_semantics<core_parallel>, #tpu.dimension_semantics<subcore_parallel>], iteration_bounds = array<i64: 2, 16>, scalar_prefetch = 0 : i64, scratch_operands = 29 : i64, tpu.core_type = #tpu.core_type<sc_vector_subcore>, window_params = [{transform_indices = #map}, {transform_indices = #map}, {transform_indices = #map}, {transform_indices = #map1}, {transform_indices = #map1}, {transform_indices = #map2}, {transform_indices = #map2}]} {
    %mul3A = arith.constant 16 : i32
    %mul3A_0 = arith.muli %arg0, %mul3A : i32
    %add3A = arith.addi %mul3A_0, %arg1 : i32
    %broadcast_in_dim3A = arith.constant 0.000000e+00 : f32
    %broadcast_in_dim3A_1 = vector.broadcast %broadcast_in_dim3A : f32 to vector<16xf32>
    %scan3A = arith.constant 0 : i32
    %scan3A_2 = arith.constant 0 : i32
    %scan3A_3 = arith.constant 64 : i32
    %scan3A_4 = arith.addi %scan3A_2, %scan3A_3 : i32
    %scan3A_5 = arith.constant 1 : i32
    scf.for %scan3A_91 = %scan3A_2 to %scan3A_4 step %scan3A_5  : i32 {
      %swap3A = arith.index_cast %scan3A_91 : i32 to index
      %swap3A_92 = arith.constant 0 : index
      %swap3A_93 = tpu.vector_load %arg24[%swap3A, %swap3A_92] {strides = array<i32>} : memref<64x128xf32, #tpu.memory_space<vmem>>, vector<1x16xf32>,
      %swap3A_94 = vector.shape_cast %swap3A_93 : vector<1x16xf32> to vector<16xf32>
      %swap3A_95 = vector.shape_cast %broadcast_in_dim3A_1 : vector<16xf32> to vector<1x16xf32>
      tpu.vector_store %arg24[%swap3A, %swap3A_92], %swap3A_95 {strides = array<i32>} : memref<64x128xf32, #tpu.memory_space<vmem>>, vector<1x16xf32>,
      %swap3A_96 = arith.index_cast %scan3A_91 : i32 to index
      %swap3A_97 = arith.constant 16 : index
      %swap3A_98 = tpu.vector_load %arg24[%swap3A_96, %swap3A_97] {strides = array<i32>} : memref<64x128xf32, #tpu.memory_space<vmem>>, vector<1x16xf32>,
      %swap3A_99 = vector.shape_cast %swap3A_98 : vector<1x16xf32> to vector<16xf32>
      %swap3A_100 = vector.shape_cast %broadcast_in_dim3A_1 : vector<16xf32> to vector<1x16xf32>
      tpu.vector_store %arg24[%swap3A_96, %swap3A_97], %swap3A_100 {strides = array<i32>} : memref<64x128xf32, #tpu.memory_space<vmem>>, vector<1x16xf32>,
      %swap3A_101 = arith.index_cast %scan3A_91 : i32 to index
      %swap3A_102 = arith.constant 32 : index
      %swap3A_103 = tpu.vector_load %arg24[%swap3A_101, %swap3A_102] {strides = array<i32>} : memref<64x128xf32, #tpu.memory_space<vmem>>, vector<1x16xf32>,
      %swap3A_104 = vector.shape_cast %swap3A_103 : vector<1x16xf32> to vector<16xf32>
      %swap3A_105 = vector.shape_cast %broadcast_in_dim3A_1 : vector<16xf32> to vector<1x16xf32>
      tpu.vector_store %arg24[%swap3A_101, %swap3A_102], %swap3A_105 {strides = array<i32>} : memref<64x128xf32, #tpu.memory_space<vmem>>, vector<1x16xf32>,
      %swap3A_106 = arith.index_cast %scan3A_91 : i32 to index
      %swap3A_107 = arith.constant 48 : index
      %swap3A_108 = tpu.vector_load %arg24[%swap3A_106, %swap3A_107] {strides = array<i32>} : memref<64x128xf32, #tpu.memory_space<vmem>>, vector<1x16xf32>,
      %swap3A_109 = vector.shape_cast %swap3A_108 : vector<1x16xf32> to vector<16xf32>
      %swap3A_110 = vector.shape_cast %broadcast_in_dim3A_1 : vector<16xf32> to vector<1x16xf32>
      tpu.vector_store %arg24[%swap3A_106, %swap3A_107], %swap3A_110 {strides = array<i32>} : memref<64x128xf32, #tpu.memory_space<vmem>>, vector<1x16xf32>,
      %swap3A_111 = arith.index_cast %scan3A_91 : i32 to index
      %swap3A_112 = arith.constant 64 : index
      %swap3A_113 = tpu.vector_load %arg24[%swap3A_111, %swap3A_112] {strides = array<i32>} : memref<64x128xf32, #tpu.memory_space<vmem>>, vector<1x16xf32>,
      %swap3A_114 = vector.shape_cast %swap3A_113 : vector<1x16xf32> to vector<16xf32>
      %swap3A_115 = vector.shape_cast %broadcast_in_dim3A_1 : vector<16xf32> to vector<1x16xf32>
      tpu.vector_store %arg24[%swap3A_111, %swap3A_112], %swap3A_115 {strides = array<i32>} : memref<64x128xf32, #tpu.memory_space<vmem>>, vector<1x16xf32>,
      %swap3A_116 = arith.index_cast %scan3A_91 : i32 to index
      %swap3A_117 = arith.constant 80 : index
      %swap3A_118 = tpu.vector_load %arg24[%swap3A_116, %swap3A_117] {strides = array<i32>} : memref<64x128xf32, #tpu.memory_space<vmem>>, vector<1x16xf32>,
      %swap3A_119 = vector.shape_cast %swap3A_118 : vector<1x16xf32> to vector<16xf32>
      %swap3A_120 = vector.shape_cast %broadcast_in_dim3A_1 : vector<16xf32> to vector<1x16xf32>
      tpu.vector_store %arg24[%swap3A_116, %swap3A_117], %swap3A_120 {strides = array<i32>} : memref<64x128xf32, #tpu.memory_space<vmem>>, vector<1x16xf32>,
      %swap3A_121 = arith.index_cast %scan3A_91 : i32 to index
      %swap3A_122 = arith.constant 96 : index
      %swap3A_123 = tpu.vector_load %arg24[%swap3A_121, %swap3A_122] {strides = array<i32>} : memref<64x128xf32, #tpu.memory_space<vmem>>, vector<1x16xf32>,
      %swap3A_124 = vector.shape_cast %swap3A_123 : vector<1x16xf32> to vector<16xf32>
      %swap3A_125 = vector.shape_cast %broadcast_in_dim3A_1 : vector<16xf32> to vector<1x16xf32>
      tpu.vector_store %arg24[%swap3A_121, %swap3A_122], %swap3A_125 {strides = array<i32>} : memref<64x128xf32, #tpu.memory_space<vmem>>, vector<1x16xf32>,
      %swap3A_126 = arith.index_cast %scan3A_91 : i32 to index
      %swap3A_127 = arith.constant 112 : index
      %swap3A_128 = tpu.vector_load %arg24[%swap3A_126, %swap3A_127] {strides = array<i32>} : memref<64x128xf32, #tpu.memory_space<vmem>>, vector<1x16xf32>,
      %swap3A_129 = vector.shape_cast %swap3A_128 : vector<1x16xf32> to vector<16xf32>
      %swap3A_130 = vector.shape_cast %broadcast_in_dim3A_1 : vector<16xf32> to vector<1x16xf32>
      tpu.vector_store %arg24[%swap3A_126, %swap3A_127], %swap3A_130 {strides = array<i32>} : memref<64x128xf32, #tpu.memory_space<vmem>>, vector<1x16xf32>,
      %swap3A_131 = arith.index_cast %scan3A_91 : i32 to index
      %swap3A_132 = arith.constant 0 : index
      %swap3A_133 = tpu.vector_load %arg18[%swap3A_131, %swap3A_132] {strides = array<i32>} : memref<64x16xf32, #tpu.memory_space<vmem>>, vector<1x16xf32>,
      %swap3A_134 = vector.shape_cast %swap3A_133 : vector<1x16xf32> to vector<16xf32>
      %swap3A_135 = vector.shape_cast %broadcast_in_dim3A_1 : vector<16xf32> to vector<1x16xf32>
      tpu.vector_store %arg18[%swap3A_131, %swap3A_132], %swap3A_135 {strides = array<i32>} : memref<64x16xf32, #tpu.memory_space<vmem>>, vector<1x16xf32>,
    }
    %scan3A_6 = arith.constant 64 : i32
    %mul3A_7 = arith.constant 640 : i32
    %mul3A_8 = arith.muli %arg1, %mul3A_7 : i32
    %add3A_9 = arith.constant 0 : i32
    %add3A_10 = arith.addi %mul3A_8, %add3A_9 : i32
    "tpu.region"() ({
      %run_scoped3A = tpu.sem_alloc : memref<!tpu.dma_semaphore, #tpu.memory_space<semaphore_mem>>
      %dma_start3A = arith.constant 0 : i32
      %dma_start3A_91 = tpu.memref_slice %arg27[%add3A_10, %dma_start3A] : memref<10240x128xf32, #tpu.memory_space<vmem_shared>> -> memref<64x128xf32, #tpu.memory_space<vmem_shared>>
      %dma_start3A_92 = arith.constant 0 : i32
      %dma_start3A_93 = tpu.memref_slice %arg27[%add3A_10, %dma_start3A_92] : memref<10240x128xf32, #tpu.memory_space<vmem_shared>> -> memref<64x128xf32, #tpu.memory_space<vmem_shared>>
      tpu.enqueue_dma source(%arg24 : memref<64x128xf32, #tpu.memory_space<vmem>>) target(%dma_start3A_93 : memref<64x128xf32, #tpu.memory_space<vmem_shared>>) target_semaphore(%run_scoped3A : memref<!tpu.dma_semaphore, #tpu.memory_space<semaphore_mem>>)
      %dma_wait3A = arith.constant 0 : i32
      %dma_wait3A_94 = tpu.memref_slice %arg27[%add3A_10, %dma_wait3A] : memref<10240x128xf32, #tpu.memory_space<vmem_shared>> -> memref<64x128xf32, #tpu.memory_space<vmem_shared>>
      %dma_wait3A_95 = arith.constant 0 : i32
      %dma_wait3A_96 = tpu.memref_slice %arg27[%add3A_10, %dma_wait3A_95] : memref<10240x128xf32, #tpu.memory_space<vmem_shared>> -> memref<64x128xf32, #tpu.memory_space<vmem_shared>>
      tpu.wait_dma2 semaphore(%run_scoped3A : memref<!tpu.dma_semaphore, #tpu.memory_space<semaphore_mem>>) src(%arg24 : memref<64x128xf32, #tpu.memory_space<vmem>>) dst(%dma_wait3A_96 : memref<64x128xf32, #tpu.memory_space<vmem_shared>>)
      tpu.yield
    }) : () -> ()
    %add3A_11 = arith.constant 0 : i32
    %add3A_12 = arith.addi %mul3A_8, %add3A_11 : i32
    "tpu.region"() ({
      %run_scoped3A = tpu.sem_alloc : memref<!tpu.dma_semaphore, #tpu.memory_space<semaphore_mem>>
      %dma_start3A = arith.constant 0 : i32
      %dma_start3A_91 = tpu.memref_slice %arg28[%add3A_12, %dma_start3A] : memref<10240x16xf32, #tpu.memory_space<vmem_shared>> -> memref<64x16xf32, #tpu.memory_space<vmem_shared>>
      %dma_start3A_92 = arith.constant 0 : i32
      %dma_start3A_93 = tpu.memref_slice %arg28[%add3A_12, %dma_start3A_92] : memref<10240x16xf32, #tpu.memory_space<vmem_shared>> -> memref<64x16xf32, #tpu.memory_space<vmem_shared>>
      tpu.enqueue_dma source(%arg18 : memref<64x16xf32, #tpu.memory_space<vmem>>) target(%dma_start3A_93 : memref<64x16xf32, #tpu.memory_space<vmem_shared>>) target_semaphore(%run_scoped3A : memref<!tpu.dma_semaphore, #tpu.memory_space<semaphore_mem>>)
      %dma_wait3A = arith.constant 0 : i32
      %dma_wait3A_94 = tpu.memref_slice %arg28[%add3A_12, %dma_wait3A] : memref<10240x16xf32, #tpu.memory_space<vmem_shared>> -> memref<64x16xf32, #tpu.memory_space<vmem_shared>>
      %dma_wait3A_95 = arith.constant 0 : i32
      %dma_wait3A_96 = tpu.memref_slice %arg28[%add3A_12, %dma_wait3A_95] : memref<10240x16xf32, #tpu.memory_space<vmem_shared>> -> memref<64x16xf32, #tpu.memory_space<vmem_shared>>
      tpu.wait_dma2 semaphore(%run_scoped3A : memref<!tpu.dma_semaphore, #tpu.memory_space<semaphore_mem>>) src(%arg18 : memref<64x16xf32, #tpu.memory_space<vmem>>) dst(%dma_wait3A_96 : memref<64x16xf32, #tpu.memory_space<vmem_shared>>)
      tpu.yield
    }) : () -> ()
    %add3A_13 = arith.constant 64 : i32
    %add3A_14 = arith.addi %mul3A_8, %add3A_13 : i32
    "tpu.region"() ({
      %run_scoped3A = tpu.sem_alloc : memref<!tpu.dma_semaphore, #tpu.memory_space<semaphore_mem>>
      %dma_start3A = arith.constant 0 : i32
      %dma_start3A_91 = tpu.memref_slice %arg27[%add3A_14, %dma_start3A] : memref<10240x128xf32, #tpu.memory_space<vmem_shared>> -> memref<64x128xf32, #tpu.memory_space<vmem_shared>>
      %dma_start3A_92 = arith.constant 0 : i32
      %dma_start3A_93 = tpu.memref_slice %arg27[%add3A_14, %dma_start3A_92] : memref<10240x128xf32, #tpu.memory_space<vmem_shared>> -> memref<64x128xf32, #tpu.memory_space<vmem_shared>>
      tpu.enqueue_dma source(%arg24 : memref<64x128xf32, #tpu.memory_space<vmem>>) target(%dma_start3A_93 : memref<64x128xf32, #tpu.memory_space<vmem_shared>>) target_semaphore(%run_scoped3A : memref<!tpu.dma_semaphore, #tpu.memory_space<semaphore_mem>>)
      %dma_wait3A = arith.constant 0 : i32
      %dma_wait3A_94 = tpu.memref_slice %arg27[%add3A_14, %dma_wait3A] : memref<10240x128xf32, #tpu.memory_space<vmem_shared>> -> memref<64x128xf32, #tpu.memory_space<vmem_shared>>
      %dma_wait3A_95 = arith.constant 0 : i32
      %dma_wait3A_96 = tpu.memref_slice %arg27[%add3A_14, %dma_wait3A_95] : memref<10240x128xf32, #tpu.memory_space<vmem_shared>> -> memref<64x128xf32, #tpu.memory_space<vmem_shared>>
      tpu.wait_dma2 semaphore(%run_scoped3A : memref<!tpu.dma_semaphore, #tpu.memory_space<semaphore_mem>>) src(%arg24 : memref<64x128xf32, #tpu.memory_space<vmem>>) dst(%dma_wait3A_96 : memref<64x128xf32, #tpu.memory_space<vmem_shared>>)
      tpu.yield
    }) : () -> ()
    %add3A_15 = arith.constant 64 : i32
    %add3A_16 = arith.addi %mul3A_8, %add3A_15 : i32
    "tpu.region"() ({
      %run_scoped3A = tpu.sem_alloc : memref<!tpu.dma_semaphore, #tpu.memory_space<semaphore_mem>>
      %dma_start3A = arith.constant 0 : i32
      %dma_start3A_91 = tpu.memref_slice %arg28[%add3A_16, %dma_start3A] : memref<10240x16xf32, #tpu.memory_space<vmem_shared>> -> memref<64x16xf32, #tpu.memory_space<vmem_shared>>
      %dma_start3A_92 = arith.constant 0 : i32
      %dma_start3A_93 = tpu.memref_slice %arg28[%add3A_16, %dma_start3A_92] : memref<10240x16xf32, #tpu.memory_space<vmem_shared>> -> memref<64x16xf32, #tpu.memory_space<vmem_shared>>
      tpu.enqueue_dma source(%arg18 : memref<64x16xf32, #tpu.memory_space<vmem>>) target(%dma_start3A_93 : memref<64x16xf32, #tpu.memory_space<vmem_shared>>) target_semaphore(%run_scoped3A : memref<!tpu.dma_semaphore, #tpu.memory_space<semaphore_mem>>)
      %dma_wait3A = arith.constant 0 : i32
      %dma_wait3A_94 = tpu.memref_slice %arg28[%add3A_16, %dma_wait3A] : memref<10240x16xf32, #tpu.memory_space<vmem_shared>> -> memref<64x16xf32, #tpu.memory_space<vmem_shared>>
      %dma_wait3A_95 = arith.constant 0 : i32
      %dma_wait3A_96 = tpu.memref_slice %arg28[%add3A_16, %dma_wait3A_95] : memref<10240x16xf32, #tpu.memory_space<vmem_shared>> -> memref<64x16xf32, #tpu.memory_space<vmem_shared>>
      tpu.wait_dma2 semaphore(%run_scoped3A : memref<!tpu.dma_semaphore, #tpu.memory_space<semaphore_mem>>) src(%arg18 : memref<64x16xf32, #tpu.memory_space<vmem>>) dst(%dma_wait3A_96 : memref<64x16xf32, #tpu.memory_space<vmem_shared>>)
      tpu.yield
    }) : () -> ()
    %add3A_17 = arith.constant 128 : i32
    %add3A_18 = arith.addi %mul3A_8, %add3A_17 : i32
    "tpu.region"() ({
      %run_scoped3A = tpu.sem_alloc : memref<!tpu.dma_semaphore, #tpu.memory_space<semaphore_mem>>
      %dma_start3A = arith.constant 0 : i32
      %dma_start3A_91 = tpu.memref_slice %arg27[%add3A_18, %dma_start3A] : memref<10240x128xf32, #tpu.memory_space<vmem_shared>> -> memref<64x128xf32, #tpu.memory_space<vmem_shared>>
      %dma_start3A_92 = arith.constant 0 : i32
      %dma_start3A_93 = tpu.memref_slice %arg27[%add3A_18, %dma_start3A_92] : memref<10240x128xf32, #tpu.memory_space<vmem_shared>> -> memref<64x128xf32, #tpu.memory_space<vmem_shared>>
      tpu.enqueue_dma source(%arg24 : memref<64x128xf32, #tpu.memory_space<vmem>>) target(%dma_start3A_93 : memref<64x128xf32, #tpu.memory_space<vmem_shared>>) target_semaphore(%run_scoped3A : memref<!tpu.dma_semaphore, #tpu.memory_space<semaphore_mem>>)
      %dma_wait3A = arith.constant 0 : i32
      %dma_wait3A_94 = tpu.memref_slice %arg27[%add3A_18, %dma_wait3A] : memref<10240x128xf32, #tpu.memory_space<vmem_shared>> -> memref<64x128xf32, #tpu.memory_space<vmem_shared>>
      %dma_wait3A_95 = arith.constant 0 : i32
      %dma_wait3A_96 = tpu.memref_slice %arg27[%add3A_18, %dma_wait3A_95] : memref<10240x128xf32, #tpu.memory_space<vmem_shared>> -> memref<64x128xf32, #tpu.memory_space<vmem_shared>>
      tpu.wait_dma2 semaphore(%run_scoped3A : memref<!tpu.dma_semaphore, #tpu.memory_space<semaphore_mem>>) src(%arg24 : memref<64x128xf32, #tpu.memory_space<vmem>>) dst(%dma_wait3A_96 : memref<64x128xf32, #tpu.memory_space<vmem_shared>>)
      tpu.yield
    }) : () -> ()
    %add3A_19 = arith.constant 128 : i32
    %add3A_20 = arith.addi %mul3A_8, %add3A_19 : i32
    "tpu.region"() ({
      %run_scoped3A = tpu.sem_alloc : memref<!tpu.dma_semaphore, #tpu.memory_space<semaphore_mem>>
      %dma_start3A = arith.constant 0 : i32
      %dma_start3A_91 = tpu.memref_slice %arg28[%add3A_20, %dma_start3A] : memref<10240x16xf32, #tpu.memory_space<vmem_shared>> -> memref<64x16xf32, #tpu.memory_space<vmem_shared>>
      %dma_start3A_92 = arith.constant 0 : i32
      %dma_start3A_93 = tpu.memref_slice %arg28[%add3A_20, %dma_start3A_92] : memref<10240x16xf32, #tpu.memory_space<vmem_shared>> -> memref<64x16xf32, #tpu.memory_space<vmem_shared>>
      tpu.enqueue_dma source(%arg18 : memref<64x16xf32, #tpu.memory_space<vmem>>) target(%dma_start3A_93 : memref<64x16xf32, #tpu.memory_space<vmem_shared>>) target_semaphore(%run_scoped3A : memref<!tpu.dma_semaphore, #tpu.memory_space<semaphore_mem>>)
      %dma_wait3A = arith.constant 0 : i32
      %dma_wait3A_94 = tpu.memref_slice %arg28[%add3A_20, %dma_wait3A] : memref<10240x16xf32, #tpu.memory_space<vmem_shared>> -> memref<64x16xf32, #tpu.memory_space<vmem_shared>>
      %dma_wait3A_95 = arith.constant 0 : i32
      %dma_wait3A_96 = tpu.memref_slice %arg28[%add3A_20, %dma_wait3A_95] : memref<10240x16xf32, #tpu.memory_space<vmem_shared>> -> memref<64x16xf32, #tpu.memory_space<vmem_shared>>
      tpu.wait_dma2 semaphore(%run_scoped3A : memref<!tpu.dma_semaphore, #tpu.memory_space<semaphore_mem>>) src(%arg18 : memref<64x16xf32, #tpu.memory_space<vmem>>) dst(%dma_wait3A_96 : memref<64x16xf32, #tpu.memory_space<vmem_shared>>)
      tpu.yield
    }) : () -> ()
    %add3A_21 = arith.constant 192 : i32
    %add3A_22 = arith.addi %mul3A_8, %add3A_21 : i32
    "tpu.region"() ({
      %run_scoped3A = tpu.sem_alloc : memref<!tpu.dma_semaphore, #tpu.memory_space<semaphore_mem>>
      %dma_start3A = arith.constant 0 : i32
      %dma_start3A_91 = tpu.memref_slice %arg27[%add3A_22, %dma_start3A] : memref<10240x128xf32, #tpu.memory_space<vmem_shared>> -> memref<64x128xf32, #tpu.memory_space<vmem_shared>>
      %dma_start3A_92 = arith.constant 0 : i32
      %dma_start3A_93 = tpu.memref_slice %arg27[%add3A_22, %dma_start3A_92] : memref<10240x128xf32, #tpu.memory_space<vmem_shared>> -> memref<64x128xf32, #tpu.memory_space<vmem_shared>>
      tpu.enqueue_dma source(%arg24 : memref<64x128xf32, #tpu.memory_space<vmem>>) target(%dma_start3A_93 : memref<64x128xf32, #tpu.memory_space<vmem_shared>>) target_semaphore(%run_scoped3A : memref<!tpu.dma_semaphore, #tpu.memory_space<semaphore_mem>>)
      %dma_wait3A = arith.constant 0 : i32
      %dma_wait3A_94 = tpu.memref_slice %arg27[%add3A_22, %dma_wait3A] : memref<10240x128xf32, #tpu.memory_space<vmem_shared>> -> memref<64x128xf32, #tpu.memory_space<vmem_shared>>
      %dma_wait3A_95 = arith.constant 0 : i32
      %dma_wait3A_96 = tpu.memref_slice %arg27[%add3A_22, %dma_wait3A_95] : memref<10240x128xf32, #tpu.memory_space<vmem_shared>> -> memref<64x128xf32, #tpu.memory_space<vmem_shared>>
      tpu.wait_dma2 semaphore(%run_scoped3A : memref<!tpu.dma_semaphore, #tpu.memory_space<semaphore_mem>>) src(%arg24 : memref<64x128xf32, #tpu.memory_space<vmem>>) dst(%dma_wait3A_96 : memref<64x128xf32, #tpu.memory_space<vmem_shared>>)
      tpu.yield
    }) : () -> ()
    %add3A_23 = arith.constant 192 : i32
    %add3A_24 = arith.addi %mul3A_8, %add3A_23 : i32
    "tpu.region"() ({
      %run_scoped3A = tpu.sem_alloc : memref<!tpu.dma_semaphore, #tpu.memory_space<semaphore_mem>>
      %dma_start3A = arith.constant 0 : i32
      %dma_start3A_91 = tpu.memref_slice %arg28[%add3A_24, %dma_start3A] : memref<10240x16xf32, #tpu.memory_space<vmem_shared>> -> memref<64x16xf32, #tpu.memory_space<vmem_shared>>
      %dma_start3A_92 = arith.constant 0 : i32
      %dma_start3A_93 = tpu.memref_slice %arg28[%add3A_24, %dma_start3A_92] : memref<10240x16xf32, #tpu.memory_space<vmem_shared>> -> memref<64x16xf32, #tpu.memory_space<vmem_shared>>
      tpu.enqueue_dma source(%arg18 : memref<64x16xf32, #tpu.memory_space<vmem>>) target(%dma_start3A_93 : memref<64x16xf32, #tpu.memory_space<vmem_shared>>) target_semaphore(%run_scoped3A : memref<!tpu.dma_semaphore, #tpu.memory_space<semaphore_mem>>)
      %dma_wait3A = arith.constant 0 : i32
      %dma_wait3A_94 = tpu.memref_slice %arg28[%add3A_24, %dma_wait3A] : memref<10240x16xf32, #tpu.memory_space<vmem_shared>> -> memref<64x16xf32, #tpu.memory_space<vmem_shared>>
      %dma_wait3A_95 = arith.constant 0 : i32
      %dma_wait3A_96 = tpu.memref_slice %arg28[%add3A_24, %dma_wait3A_95] : memref<10240x16xf32, #tpu.memory_space<vmem_shared>> -> memref<64x16xf32, #tpu.memory_space<vmem_shared>>
      tpu.wait_dma2 semaphore(%run_scoped3A : memref<!tpu.dma_semaphore, #tpu.memory_space<semaphore_mem>>) src(%arg18 : memref<64x16xf32, #tpu.memory_space<vmem>>) dst(%dma_wait3A_96 : memref<64x16xf32, #tpu.memory_space<vmem_shared>>)
      tpu.yield
    }) : () -> ()
    %add3A_25 = arith.constant 256 : i32
    %add3A_26 = arith.addi %mul3A_8, %add3A_25 : i32
    "tpu.region"() ({
      %run_scoped3A = tpu.sem_alloc : memref<!tpu.dma_semaphore, #tpu.memory_space<semaphore_mem>>
      %dma_start3A = arith.constant 0 : i32
      %dma_start3A_91 = tpu.memref_slice %arg27[%add3A_26, %dma_start3A] : memref<10240x128xf32, #tpu.memory_space<vmem_shared>> -> memref<64x128xf32, #tpu.memory_space<vmem_shared>>
      %dma_start3A_92 = arith.constant 0 : i32
      %dma_start3A_93 = tpu.memref_slice %arg27[%add3A_26, %dma_start3A_92] : memref<10240x128xf32, #tpu.memory_space<vmem_shared>> -> memref<64x128xf32, #tpu.memory_space<vmem_shared>>
      tpu.enqueue_dma source(%arg24 : memref<64x128xf32, #tpu.memory_space<vmem>>) target(%dma_start3A_93 : memref<64x128xf32, #tpu.memory_space<vmem_shared>>) target_semaphore(%run_scoped3A : memref<!tpu.dma_semaphore, #tpu.memory_space<semaphore_mem>>)
      %dma_wait3A = arith.constant 0 : i32
      %dma_wait3A_94 = tpu.memref_slice %arg27[%add3A_26, %dma_wait3A] : memref<10240x128xf32, #tpu.memory_space<vmem_shared>> -> memref<64x128xf32, #tpu.memory_space<vmem_shared>>
      %dma_wait3A_95 = arith.constant 0 : i32
      %dma_wait3A_96 = tpu.memref_slice %arg27[%add3A_26, %dma_wait3A_95] : memref<10240x128xf32, #tpu.memory_space<vmem_shared>> -> memref<64x128xf32, #tpu.memory_space<vmem_shared>>
      tpu.wait_dma2 semaphore(%run_scoped3A : memref<!tpu.dma_semaphore, #tpu.memory_space<semaphore_mem>>) src(%arg24 : memref<64x128xf32, #tpu.memory_space<vmem>>) dst(%dma_wait3A_96 : memref<64x128xf32, #tpu.memory_space<vmem_shared>>)
      tpu.yield
    }) : () -> ()
    %add3A_27 = arith.constant 256 : i32
    %add3A_28 = arith.addi %mul3A_8, %add3A_27 : i32
    "tpu.region"() ({
      %run_scoped3A = tpu.sem_alloc : memref<!tpu.dma_semaphore, #tpu.memory_space<semaphore_mem>>
      %dma_start3A = arith.constant 0 : i32
      %dma_start3A_91 = tpu.memref_slice %arg28[%add3A_28, %dma_start3A] : memref<10240x16xf32, #tpu.memory_space<vmem_shared>> -> memref<64x16xf32, #tpu.memory_space<vmem_shared>>
      %dma_start3A_92 = arith.constant 0 : i32
      %dma_start3A_93 = tpu.memref_slice %arg28[%add3A_28, %dma_start3A_92] : memref<10240x16xf32, #tpu.memory_space<vmem_shared>> -> memref<64x16xf32, #tpu.memory_space<vmem_shared>>
      tpu.enqueue_dma source(%arg18 : memref<64x16xf32, #tpu.memory_space<vmem>>) target(%dma_start3A_93 : memref<64x16xf32, #tpu.memory_space<vmem_shared>>) target_semaphore(%run_scoped3A : memref<!tpu.dma_semaphore, #tpu.memory_space<semaphore_mem>>)
      %dma_wait3A = arith.constant 0 : i32
      %dma_wait3A_94 = tpu.memref_slice %arg28[%add3A_28, %dma_wait3A] : memref<10240x16xf32, #tpu.memory_space<vmem_shared>> -> memref<64x16xf32, #tpu.memory_space<vmem_shared>>
      %dma_wait3A_95 = arith.constant 0 : i32
      %dma_wait3A_96 = tpu.memref_slice %arg28[%add3A_28, %dma_wait3A_95] : memref<10240x16xf32, #tpu.memory_space<vmem_shared>> -> memref<64x16xf32, #tpu.memory_space<vmem_shared>>
      tpu.wait_dma2 semaphore(%run_scoped3A : memref<!tpu.dma_semaphore, #tpu.memory_space<semaphore_mem>>) src(%arg18 : memref<64x16xf32, #tpu.memory_space<vmem>>) dst(%dma_wait3A_96 : memref<64x16xf32, #tpu.memory_space<vmem_shared>>)
      tpu.yield
    }) : () -> ()
    %add3A_29 = arith.constant 320 : i32
    %add3A_30 = arith.addi %mul3A_8, %add3A_29 : i32
    "tpu.region"() ({
      %run_scoped3A = tpu.sem_alloc : memref<!tpu.dma_semaphore, #tpu.memory_space<semaphore_mem>>
      %dma_start3A = arith.constant 0 : i32
      %dma_start3A_91 = tpu.memref_slice %arg27[%add3A_30, %dma_start3A] : memref<10240x128xf32, #tpu.memory_space<vmem_shared>> -> memref<64x128xf32, #tpu.memory_space<vmem_shared>>
      %dma_start3A_92 = arith.constant 0 : i32
      %dma_start3A_93 = tpu.memref_slice %arg27[%add3A_30, %dma_start3A_92] : memref<10240x128xf32, #tpu.memory_space<vmem_shared>> -> memref<64x128xf32, #tpu.memory_space<vmem_shared>>
      tpu.enqueue_dma source(%arg24 : memref<64x128xf32, #tpu.memory_space<vmem>>) target(%dma_start3A_93 : memref<64x128xf32, #tpu.memory_space<vmem_shared>>) target_semaphore(%run_scoped3A : memref<!tpu.dma_semaphore, #tpu.memory_space<semaphore_mem>>)
      %dma_wait3A = arith.constant 0 : i32
      %dma_wait3A_94 = tpu.memref_slice %arg27[%add3A_30, %dma_wait3A] : memref<10240x128xf32, #tpu.memory_space<vmem_shared>> -> memref<64x128xf32, #tpu.memory_space<vmem_shared>>
      %dma_wait3A_95 = arith.constant 0 : i32
      %dma_wait3A_96 = tpu.memref_slice %arg27[%add3A_30, %dma_wait3A_95] : memref<10240x128xf32, #tpu.memory_space<vmem_shared>> -> memref<64x128xf32, #tpu.memory_space<vmem_shared>>
      tpu.wait_dma2 semaphore(%run_scoped3A : memref<!tpu.dma_semaphore, #tpu.memory_space<semaphore_mem>>) src(%arg24 : memref<64x128xf32, #tpu.memory_space<vmem>>) dst(%dma_wait3A_96 : memref<64x128xf32, #tpu.memory_space<vmem_shared>>)
      tpu.yield
    }) : () -> ()
    %add3A_31 = arith.constant 320 : i32
    %add3A_32 = arith.addi %mul3A_8, %add3A_31 : i32
    "tpu.region"() ({
      %run_scoped3A = tpu.sem_alloc : memref<!tpu.dma_semaphore, #tpu.memory_space<semaphore_mem>>
      %dma_start3A = arith.constant 0 : i32
      %dma_start3A_91 = tpu.memref_slice %arg28[%add3A_32, %dma_start3A] : memref<10240x16xf32, #tpu.memory_space<vmem_shared>> -> memref<64x16xf32, #tpu.memory_space<vmem_shared>>
      %dma_start3A_92 = arith.constant 0 : i32
      %dma_start3A_93 = tpu.memref_slice %arg28[%add3A_32, %dma_start3A_92] : memref<10240x16xf32, #tpu.memory_space<vmem_shared>> -> memref<64x16xf32, #tpu.memory_space<vmem_shared>>
      tpu.enqueue_dma source(%arg18 : memref<64x16xf32, #tpu.memory_space<vmem>>) target(%dma_start3A_93 : memref<64x16xf32, #tpu.memory_space<vmem_shared>>) target_semaphore(%run_scoped3A : memref<!tpu.dma_semaphore, #tpu.memory_space<semaphore_mem>>)
      %dma_wait3A = arith.constant 0 : i32
      %dma_wait3A_94 = tpu.memref_slice %arg28[%add3A_32, %dma_wait3A] : memref<10240x16xf32, #tpu.memory_space<vmem_shared>> -> memref<64x16xf32, #tpu.memory_space<vmem_shared>>
      %dma_wait3A_95 = arith.constant 0 : i32
      %dma_wait3A_96 = tpu.memref_slice %arg28[%add3A_32, %dma_wait3A_95] : memref<10240x16xf32, #tpu.memory_space<vmem_shared>> -> memref<64x16xf32, #tpu.memory_space<vmem_shared>>
      tpu.wait_dma2 semaphore(%run_scoped3A : memref<!tpu.dma_semaphore, #tpu.memory_space<semaphore_mem>>) src(%arg18 : memref<64x16xf32, #tpu.memory_space<vmem>>) dst(%dma_wait3A_96 : memref<64x16xf32, #tpu.memory_space<vmem_shared>>)
      tpu.yield
    }) : () -> ()
    %add3A_33 = arith.constant 384 : i32
    %add3A_34 = arith.addi %mul3A_8, %add3A_33 : i32
    "tpu.region"() ({
      %run_scoped3A = tpu.sem_alloc : memref<!tpu.dma_semaphore, #tpu.memory_space<semaphore_mem>>
      %dma_start3A = arith.constant 0 : i32
      %dma_start3A_91 = tpu.memref_slice %arg27[%add3A_34, %dma_start3A] : memref<10240x128xf32, #tpu.memory_space<vmem_shared>> -> memref<64x128xf32, #tpu.memory_space<vmem_shared>>
      %dma_start3A_92 = arith.constant 0 : i32
      %dma_start3A_93 = tpu.memref_slice %arg27[%add3A_34, %dma_start3A_92] : memref<10240x128xf32, #tpu.memory_space<vmem_shared>> -> memref<64x128xf32, #tpu.memory_space<vmem_shared>>
      tpu.enqueue_dma source(%arg24 : memref<64x128xf32, #tpu.memory_space<vmem>>) target(%dma_start3A_93 : memref<64x128xf32, #tpu.memory_space<vmem_shared>>) target_semaphore(%run_scoped3A : memref<!tpu.dma_semaphore, #tpu.memory_space<semaphore_mem>>)
      %dma_wait3A = arith.constant 0 : i32
      %dma_wait3A_94 = tpu.memref_slice %arg27[%add3A_34, %dma_wait3A] : memref<10240x128xf32, #tpu.memory_space<vmem_shared>> -> memref<64x128xf32, #tpu.memory_space<vmem_shared>>
      %dma_wait3A_95 = arith.constant 0 : i32
      %dma_wait3A_96 = tpu.memref_slice %arg27[%add3A_34, %dma_wait3A_95] : memref<10240x128xf32, #tpu.memory_space<vmem_shared>> -> memref<64x128xf32, #tpu.memory_space<vmem_shared>>
      tpu.wait_dma2 semaphore(%run_scoped3A : memref<!tpu.dma_semaphore, #tpu.memory_space<semaphore_mem>>) src(%arg24 : memref<64x128xf32, #tpu.memory_space<vmem>>) dst(%dma_wait3A_96 : memref<64x128xf32, #tpu.memory_space<vmem_shared>>)
      tpu.yield
    }) : () -> ()
    %add3A_35 = arith.constant 384 : i32
    %add3A_36 = arith.addi %mul3A_8, %add3A_35 : i32
    "tpu.region"() ({
      %run_scoped3A = tpu.sem_alloc : memref<!tpu.dma_semaphore, #tpu.memory_space<semaphore_mem>>
      %dma_start3A = arith.constant 0 : i32
      %dma_start3A_91 = tpu.memref_slice %arg28[%add3A_36, %dma_start3A] : memref<10240x16xf32, #tpu.memory_space<vmem_shared>> -> memref<64x16xf32, #tpu.memory_space<vmem_shared>>
      %dma_start3A_92 = arith.constant 0 : i32
      %dma_start3A_93 = tpu.memref_slice %arg28[%add3A_36, %dma_start3A_92] : memref<10240x16xf32, #tpu.memory_space<vmem_shared>> -> memref<64x16xf32, #tpu.memory_space<vmem_shared>>
      tpu.enqueue_dma source(%arg18 : memref<64x16xf32, #tpu.memory_space<vmem>>) target(%dma_start3A_93 : memref<64x16xf32, #tpu.memory_space<vmem_shared>>) target_semaphore(%run_scoped3A : memref<!tpu.dma_semaphore, #tpu.memory_space<semaphore_mem>>)
      %dma_wait3A = arith.constant 0 : i32
      %dma_wait3A_94 = tpu.memref_slice %arg28[%add3A_36, %dma_wait3A] : memref<10240x16xf32, #tpu.memory_space<vmem_shared>> -> memref<64x16xf32, #tpu.memory_space<vmem_shared>>
      %dma_wait3A_95 = arith.constant 0 : i32
      %dma_wait3A_96 = tpu.memref_slice %arg28[%add3A_36, %dma_wait3A_95] : memref<10240x16xf32, #tpu.memory_space<vmem_shared>> -> memref<64x16xf32, #tpu.memory_space<vmem_shared>>
      tpu.wait_dma2 semaphore(%run_scoped3A : memref<!tpu.dma_semaphore, #tpu.memory_space<semaphore_mem>>) src(%arg18 : memref<64x16xf32, #tpu.memory_space<vmem>>) dst(%dma_wait3A_96 : memref<64x16xf32, #tpu.memory_space<vmem_shared>>)
      tpu.yield
    }) : () -> ()
    %add3A_37 = arith.constant 448 : i32
    %add3A_38 = arith.addi %mul3A_8, %add3A_37 : i32
    "tpu.region"() ({
      %run_scoped3A = tpu.sem_alloc : memref<!tpu.dma_semaphore, #tpu.memory_space<semaphore_mem>>
      %dma_start3A = arith.constant 0 : i32
      %dma_start3A_91 = tpu.memref_slice %arg27[%add3A_38, %dma_start3A] : memref<10240x128xf32, #tpu.memory_space<vmem_shared>> -> memref<64x128xf32, #tpu.memory_space<vmem_shared>>
      %dma_start3A_92 = arith.constant 0 : i32
      %dma_start3A_93 = tpu.memref_slice %arg27[%add3A_38, %dma_start3A_92] : memref<10240x128xf32, #tpu.memory_space<vmem_shared>> -> memref<64x128xf32, #tpu.memory_space<vmem_shared>>
      tpu.enqueue_dma source(%arg24 : memref<64x128xf32, #tpu.memory_space<vmem>>) target(%dma_start3A_93 : memref<64x128xf32, #tpu.memory_space<vmem_shared>>) target_semaphore(%run_scoped3A : memref<!tpu.dma_semaphore, #tpu.memory_space<semaphore_mem>>)
      %dma_wait3A = arith.constant 0 : i32
      %dma_wait3A_94 = tpu.memref_slice %arg27[%add3A_38, %dma_wait3A] : memref<10240x128xf32, #tpu.memory_space<vmem_shared>> -> memref<64x128xf32, #tpu.memory_space<vmem_shared>>
      %dma_wait3A_95 = arith.constant 0 : i32
      %dma_wait3A_96 = tpu.memref_slice %arg27[%add3A_38, %dma_wait3A_95] : memref<10240x128xf32, #tpu.memory_space<vmem_shared>> -> memref<64x128xf32, #tpu.memory_space<vmem_shared>>
      tpu.wait_dma2 semaphore(%run_scoped3A : memref<!tpu.dma_semaphore, #tpu.memory_space<semaphore_mem>>) src(%arg24 : memref<64x128xf32, #tpu.memory_space<vmem>>) dst(%dma_wait3A_96 : memref<64x128xf32, #tpu.memory_space<vmem_shared>>)
      tpu.yield
    }) : () -> ()
    %add3A_39 = arith.constant 448 : i32
    %add3A_40 = arith.addi %mul3A_8, %add3A_39 : i32
    "tpu.region"() ({
      %run_scoped3A = tpu.sem_alloc : memref<!tpu.dma_semaphore, #tpu.memory_space<semaphore_mem>>
      %dma_start3A = arith.constant 0 : i32
      %dma_start3A_91 = tpu.memref_slice %arg28[%add3A_40, %dma_start3A] : memref<10240x16xf32, #tpu.memory_space<vmem_shared>> -> memref<64x16xf32, #tpu.memory_space<vmem_shared>>
      %dma_start3A_92 = arith.constant 0 : i32
      %dma_start3A_93 = tpu.memref_slice %arg28[%add3A_40, %dma_start3A_92] : memref<10240x16xf32, #tpu.memory_space<vmem_shared>> -> memref<64x16xf32, #tpu.memory_space<vmem_shared>>
      tpu.enqueue_dma source(%arg18 : memref<64x16xf32, #tpu.memory_space<vmem>>) target(%dma_start3A_93 : memref<64x16xf32, #tpu.memory_space<vmem_shared>>) target_semaphore(%run_scoped3A : memref<!tpu.dma_semaphore, #tpu.memory_space<semaphore_mem>>)
      %dma_wait3A = arith.constant 0 : i32
      %dma_wait3A_94 = tpu.memref_slice %arg28[%add3A_40, %dma_wait3A] : memref<10240x16xf32, #tpu.memory_space<vmem_shared>> -> memref<64x16xf32, #tpu.memory_space<vmem_shared>>
      %dma_wait3A_95 = arith.constant 0 : i32
      %dma_wait3A_96 = tpu.memref_slice %arg28[%add3A_40, %dma_wait3A_95] : memref<10240x16xf32, #tpu.memory_space<vmem_shared>> -> memref<64x16xf32, #tpu.memory_space<vmem_shared>>
      tpu.wait_dma2 semaphore(%run_scoped3A : memref<!tpu.dma_semaphore, #tpu.memory_space<semaphore_mem>>) src(%arg18 : memref<64x16xf32, #tpu.memory_space<vmem>>) dst(%dma_wait3A_96 : memref<64x16xf32, #tpu.memory_space<vmem_shared>>)
      tpu.yield
    }) : () -> ()
    %add3A_41 = arith.constant 512 : i32
    %add3A_42 = arith.addi %mul3A_8, %add3A_41 : i32
    "tpu.region"() ({
      %run_scoped3A = tpu.sem_alloc : memref<!tpu.dma_semaphore, #tpu.memory_space<semaphore_mem>>
      %dma_start3A = arith.constant 0 : i32
      %dma_start3A_91 = tpu.memref_slice %arg27[%add3A_42, %dma_start3A] : memref<10240x128xf32, #tpu.memory_space<vmem_shared>> -> memref<64x128xf32, #tpu.memory_space<vmem_shared>>
      %dma_start3A_92 = arith.constant 0 : i32
      %dma_start3A_93 = tpu.memref_slice %arg27[%add3A_42, %dma_start3A_92] : memref<10240x128xf32, #tpu.memory_space<vmem_shared>> -> memref<64x128xf32, #tpu.memory_space<vmem_shared>>
      tpu.enqueue_dma source(%arg24 : memref<64x128xf32, #tpu.memory_space<vmem>>) target(%dma_start3A_93 : memref<64x128xf32, #tpu.memory_space<vmem_shared>>) target_semaphore(%run_scoped3A : memref<!tpu.dma_semaphore, #tpu.memory_space<semaphore_mem>>)
      %dma_wait3A = arith.constant 0 : i32
      %dma_wait3A_94 = tpu.memref_slice %arg27[%add3A_42, %dma_wait3A] : memref<10240x128xf32, #tpu.memory_space<vmem_shared>> -> memref<64x128xf32, #tpu.memory_space<vmem_shared>>
      %dma_wait3A_95 = arith.constant 0 : i32
      %dma_wait3A_96 = tpu.memref_slice %arg27[%add3A_42, %dma_wait3A_95] : memref<10240x128xf32, #tpu.memory_space<vmem_shared>> -> memref<64x128xf32, #tpu.memory_space<vmem_shared>>
      tpu.wait_dma2 semaphore(%run_scoped3A : memref<!tpu.dma_semaphore, #tpu.memory_space<semaphore_mem>>) src(%arg24 : memref<64x128xf32, #tpu.memory_space<vmem>>) dst(%dma_wait3A_96 : memref<64x128xf32, #tpu.memory_space<vmem_shared>>)
      tpu.yield
    }) : () -> ()
    %add3A_43 = arith.constant 512 : i32
    %add3A_44 = arith.addi %mul3A_8, %add3A_43 : i32
    "tpu.region"() ({
      %run_scoped3A = tpu.sem_alloc : memref<!tpu.dma_semaphore, #tpu.memory_space<semaphore_mem>>
      %dma_start3A = arith.constant 0 : i32
      %dma_start3A_91 = tpu.memref_slice %arg28[%add3A_44, %dma_start3A] : memref<10240x16xf32, #tpu.memory_space<vmem_shared>> -> memref<64x16xf32, #tpu.memory_space<vmem_shared>>
      %dma_start3A_92 = arith.constant 0 : i32
      %dma_start3A_93 = tpu.memref_slice %arg28[%add3A_44, %dma_start3A_92] : memref<10240x16xf32, #tpu.memory_space<vmem_shared>> -> memref<64x16xf32, #tpu.memory_space<vmem_shared>>
      tpu.enqueue_dma source(%arg18 : memref<64x16xf32, #tpu.memory_space<vmem>>) target(%dma_start3A_93 : memref<64x16xf32, #tpu.memory_space<vmem_shared>>) target_semaphore(%run_scoped3A : memref<!tpu.dma_semaphore, #tpu.memory_space<semaphore_mem>>)
      %dma_wait3A = arith.constant 0 : i32
      %dma_wait3A_94 = tpu.memref_slice %arg28[%add3A_44, %dma_wait3A] : memref<10240x16xf32, #tpu.memory_space<vmem_shared>> -> memref<64x16xf32, #tpu.memory_space<vmem_shared>>
      %dma_wait3A_95 = arith.constant 0 : i32
      %dma_wait3A_96 = tpu.memref_slice %arg28[%add3A_44, %dma_wait3A_95] : memref<10240x16xf32, #tpu.memory_space<vmem_shared>> -> memref<64x16xf32, #tpu.memory_space<vmem_shared>>
      tpu.wait_dma2 semaphore(%run_scoped3A : memref<!tpu.dma_semaphore, #tpu.memory_space<semaphore_mem>>) src(%arg18 : memref<64x16xf32, #tpu.memory_space<vmem>>) dst(%dma_wait3A_96 : memref<64x16xf32, #tpu.memory_space<vmem_shared>>)
      tpu.yield
    }) : () -> ()
    %add3A_45 = arith.constant 576 : i32
    %add3A_46 = arith.addi %mul3A_8, %add3A_45 : i32
    "tpu.region"() ({
      %run_scoped3A = tpu.sem_alloc : memref<!tpu.dma_semaphore, #tpu.memory_space<semaphore_mem>>
      %dma_start3A = arith.constant 0 : i32
      %dma_start3A_91 = tpu.memref_slice %arg27[%add3A_46, %dma_start3A] : memref<10240x128xf32, #tpu.memory_space<vmem_shared>> -> memref<64x128xf32, #tpu.memory_space<vmem_shared>>
      %dma_start3A_92 = arith.constant 0 : i32
      %dma_start3A_93 = tpu.memref_slice %arg27[%add3A_46, %dma_start3A_92] : memref<10240x128xf32, #tpu.memory_space<vmem_shared>> -> memref<64x128xf32, #tpu.memory_space<vmem_shared>>
      tpu.enqueue_dma source(%arg24 : memref<64x128xf32, #tpu.memory_space<vmem>>) target(%dma_start3A_93 : memref<64x128xf32, #tpu.memory_space<vmem_shared>>) target_semaphore(%run_scoped3A : memref<!tpu.dma_semaphore, #tpu.memory_space<semaphore_mem>>)
      %dma_wait3A = arith.constant 0 : i32
      %dma_wait3A_94 = tpu.memref_slice %arg27[%add3A_46, %dma_wait3A] : memref<10240x128xf32, #tpu.memory_space<vmem_shared>> -> memref<64x128xf32, #tpu.memory_space<vmem_shared>>
      %dma_wait3A_95 = arith.constant 0 : i32
      %dma_wait3A_96 = tpu.memref_slice %arg27[%add3A_46, %dma_wait3A_95] : memref<10240x128xf32, #tpu.memory_space<vmem_shared>> -> memref<64x128xf32, #tpu.memory_space<vmem_shared>>
      tpu.wait_dma2 semaphore(%run_scoped3A : memref<!tpu.dma_semaphore, #tpu.memory_space<semaphore_mem>>) src(%arg24 : memref<64x128xf32, #tpu.memory_space<vmem>>) dst(%dma_wait3A_96 : memref<64x128xf32, #tpu.memory_space<vmem_shared>>)
      tpu.yield
    }) : () -> ()
    %add3A_47 = arith.constant 576 : i32
    %add3A_48 = arith.addi %mul3A_8, %add3A_47 : i32
    "tpu.region"() ({
      %run_scoped3A = tpu.sem_alloc : memref<!tpu.dma_semaphore, #tpu.memory_space<semaphore_mem>>
      %dma_start3A = arith.constant 0 : i32
      %dma_start3A_91 = tpu.memref_slice %arg28[%add3A_48, %dma_start3A] : memref<10240x16xf32, #tpu.memory_space<vmem_shared>> -> memref<64x16xf32, #tpu.memory_space<vmem_shared>>
      %dma_start3A_92 = arith.constant 0 : i32
      %dma_start3A_93 = tpu.memref_slice %arg28[%add3A_48, %dma_start3A_92] : memref<10240x16xf32, #tpu.memory_space<vmem_shared>> -> memref<64x16xf32, #tpu.memory_space<vmem_shared>>
      tpu.enqueue_dma source(%arg18 : memref<64x16xf32, #tpu.memory_space<vmem>>) target(%dma_start3A_93 : memref<64x16xf32, #tpu.memory_space<vmem_shared>>) target_semaphore(%run_scoped3A : memref<!tpu.dma_semaphore, #tpu.memory_space<semaphore_mem>>)
      %dma_wait3A = arith.constant 0 : i32
      %dma_wait3A_94 = tpu.memref_slice %arg28[%add3A_48, %dma_wait3A] : memref<10240x16xf32, #tpu.memory_space<vmem_shared>> -> memref<64x16xf32, #tpu.memory_space<vmem_shared>>
      %dma_wait3A_95 = arith.constant 0 : i32
      %dma_wait3A_96 = tpu.memref_slice %arg28[%add3A_48, %dma_wait3A_95] : memref<10240x16xf32, #tpu.memory_space<vmem_shared>> -> memref<64x16xf32, #tpu.memory_space<vmem_shared>>
      tpu.wait_dma2 semaphore(%run_scoped3A : memref<!tpu.dma_semaphore, #tpu.memory_space<semaphore_mem>>) src(%arg18 : memref<64x16xf32, #tpu.memory_space<vmem>>) dst(%dma_wait3A_96 : memref<64x16xf32, #tpu.memory_space<vmem_shared>>)
      tpu.yield
    }) : () -> ()
    %barrier3A = arith.constant 0 : index
    tpu.barrier barrier_id(%barrier3A)
    %add3A_49 = arith.constant 0 : i32
    %add3A_50 = arith.addi %add3A_49, %add3A : i32
    %ge3A = arith.constant 0 : i32
    %ge3A_51 = arith.cmpi sge, %add3A_50, %ge3A : i32
    %lt3A = arith.constant 5000 : i32
    %lt3A_52 = arith.cmpi slt, %add3A_50, %lt3A : i32
    %and3A = arith.andi %ge3A_51, %lt3A_52 : i1
    %convert_element_type3A = arith.extui %and3A : i1 to i32
    %cond3A = arith.constant 0 : i32
    %cond3A_53 = arith.cmpi ne, %convert_element_type3A, %cond3A : i32
    scf.if %cond3A_53 {
      %add3A_91 = arith.constant 0 : i32
      %add3A_92 = arith.addi %add3A_91, %add3A : i32
      %mul3A_93 = arith.constant 64 : i32
      %mul3A_94 = arith.muli %add3A_92, %mul3A_93 : i32
      %dma_start3A = tpu.memref_slice %arg5[%mul3A_94] : memref<320000xi32, #tpu.memory_space<hbm>> -> memref<64xi32, #tpu.memory_space<hbm>>
      %dma_start3A_95 = tpu.memref_slice %arg5[%mul3A_94] : memref<320000xi32, #tpu.memory_space<hbm>> -> memref<64xi32, #tpu.memory_space<hbm>>
      tpu.enqueue_dma source(%dma_start3A_95 : memref<64xi32, #tpu.memory_space<hbm>>) target(%arg9 : memref<64xi32, #tpu.memory_space<vmem>>) target_semaphore(%arg29 : memref<!tpu.dma_semaphore, #tpu.memory_space<semaphore_mem>>)
      %dma_start3A_96 = tpu.memref_slice %arg6[%mul3A_94] : memref<320000xi32, #tpu.memory_space<hbm>> -> memref<64xi32, #tpu.memory_space<hbm>>
      %dma_start3A_97 = tpu.memref_slice %arg6[%mul3A_94] : memref<320000xi32, #tpu.memory_space<hbm>> -> memref<64xi32, #tpu.memory_space<hbm>>
      tpu.enqueue_dma source(%dma_start3A_97 : memref<64xi32, #tpu.memory_space<hbm>>) target(%arg12 : memref<64xi32, #tpu.memory_space<vmem>>) target_semaphore(%arg29 : memref<!tpu.dma_semaphore, #tpu.memory_space<semaphore_mem>>)
    } else {
    }
    %add3A_54 = arith.constant 0 : i32
    %add3A_55 = arith.addi %add3A_54, %add3A : i32
    %ge3A_56 = arith.constant 0 : i32
    %ge3A_57 = arith.cmpi sge, %add3A_55, %ge3A_56 : i32
    %lt3A_58 = arith.constant 5000 : i32
    %lt3A_59 = arith.cmpi slt, %add3A_55, %lt3A_58 : i32
    %and3A_60 = arith.andi %ge3A_57, %lt3A_59 : i1
    %convert_element_type3A_61 = arith.extui %and3A_60 : i1 to i32
    %cond3A_62 = arith.constant 0 : i32
    %cond3A_63 = arith.cmpi ne, %convert_element_type3A_61, %cond3A_62 : i32
    scf.if %cond3A_63 {
      %add3A_91 = arith.constant 0 : i32
      %add3A_92 = arith.addi %add3A_91, %add3A : i32
      %mul3A_93 = arith.constant 64 : i32
      %mul3A_94 = arith.muli %add3A_92, %mul3A_93 : i32
      %dma_wait3A = tpu.memref_slice %arg5[%mul3A_94] : memref<320000xi32, #tpu.memory_space<hbm>> -> memref<64xi32, #tpu.memory_space<hbm>>
      %dma_wait3A_95 = tpu.memref_slice %arg5[%mul3A_94] : memref<320000xi32, #tpu.memory_space<hbm>> -> memref<64xi32, #tpu.memory_space<hbm>>
      tpu.wait_dma2 semaphore(%arg29 : memref<!tpu.dma_semaphore, #tpu.memory_space<semaphore_mem>>) src(%dma_wait3A_95 : memref<64xi32, #tpu.memory_space<hbm>>) dst(%arg9 : memref<64xi32, #tpu.memory_space<vmem>>)
      %dma_wait3A_96 = tpu.memref_slice %arg6[%mul3A_94] : memref<320000xi32, #tpu.memory_space<hbm>> -> memref<64xi32, #tpu.memory_space<hbm>>
      %dma_wait3A_97 = tpu.memref_slice %arg6[%mul3A_94] : memref<320000xi32, #tpu.memory_space<hbm>> -> memref<64xi32, #tpu.memory_space<hbm>>
      tpu.wait_dma2 semaphore(%arg29 : memref<!tpu.dma_semaphore, #tpu.memory_space<semaphore_mem>>) src(%dma_wait3A_97 : memref<64xi32, #tpu.memory_space<hbm>>) dst(%arg12 : memref<64xi32, #tpu.memory_space<vmem>>)
    } else {
    }
    %add3A_64 = arith.constant 0 : i32
    %add3A_65 = arith.addi %add3A_64, %add3A : i32
    %ge3A_66 = arith.constant 0 : i32
    %ge3A_67 = arith.cmpi sge, %add3A_65, %ge3A_66 : i32
    %lt3A_68 = arith.constant 5000 : i32
    %lt3A_69 = arith.cmpi slt, %add3A_65, %lt3A_68 : i32
    %and3A_70 = arith.andi %ge3A_67, %lt3A_69 : i1
    %convert_element_type3A_71 = arith.extui %and3A_70 : i1 to i32
    %cond3A_72 = arith.constant 0 : i32
    %cond3A_73 = arith.cmpi ne, %convert_element_type3A_71, %cond3A_72 : i32
    scf.if %cond3A_73 {
      %dma_start3A = arith.constant 0 : i32
      %dma_start3A_91 = arith.constant 0 : i32
      %dma_start3A_92 = tpu.memref_slice %arg3[%dma_start3A, %dma_start3A_91] : memref<10000x16xf32, #tpu.memory_space<hbm>> -> memref<10000x16xf32, #tpu.memory_space<hbm>>
      tpu.enqueue_indirect_dma source(%dma_start3A_92 : memref<10000x16xf32, #tpu.memory_space<hbm>>) target(%arg18 : memref<64x16xf32, #tpu.memory_space<vmem>>) offsets(%arg9 : memref<64xi32, #tpu.memory_space<vmem>>) semaphore(%arg32 : memref<!tpu.dma_semaphore, #tpu.memory_space<semaphore_mem>>)
      %dma_start3A_93 = arith.constant 0 : i32
      %dma_start3A_94 = arith.constant 0 : i32
      %dma_start3A_95 = tpu.memref_slice %arg4[%dma_start3A_93, %dma_start3A_94] : memref<10000x16xf32, #tpu.memory_space<hbm>> -> memref<10000x16xf32, #tpu.memory_space<hbm>>
      tpu.enqueue_indirect_dma source(%dma_start3A_95 : memref<10000x16xf32, #tpu.memory_space<hbm>>) target(%arg21 : memref<64x16xf32, #tpu.memory_space<vmem>>) offsets(%arg12 : memref<64xi32, #tpu.memory_space<vmem>>) semaphore(%arg32 : memref<!tpu.dma_semaphore, #tpu.memory_space<semaphore_mem>>)
      %dma_start3A_96 = arith.constant 0 : i32
      %dma_start3A_97 = arith.constant 0 : i32
      %dma_start3A_98 = tpu.memref_slice %arg2[%dma_start3A_96, %dma_start3A_97] : memref<10000x128xf32, #tpu.memory_space<hbm>> -> memref<10000x128xf32, #tpu.memory_space<hbm>>
      tpu.enqueue_indirect_dma source(%dma_start3A_98 : memref<10000x128xf32, #tpu.memory_space<hbm>>) target(%arg24 : memref<64x128xf32, #tpu.memory_space<vmem>>) offsets(%arg9 : memref<64xi32, #tpu.memory_space<vmem>>) semaphore(%arg32 : memref<!tpu.dma_semaphore, #tpu.memory_space<semaphore_mem>>)
    } else {
    }
    %add3A_74 = arith.constant 32 : i32
    %add3A_75 = arith.addi %add3A_74, %add3A : i32
    %ge3A_76 = arith.constant 0 : i32
    %ge3A_77 = arith.cmpi sge, %add3A_75, %ge3A_76 : i32
    %lt3A_78 = arith.constant 5000 : i32
    %lt3A_79 = arith.cmpi slt, %add3A_75, %lt3A_78 : i32
    %and3A_80 = arith.andi %ge3A_77, %lt3A_79 : i1
    %convert_element_type3A_81 = arith.extui %and3A_80 : i1 to i32
    %cond3A_82 = arith.constant 0 : i32
    %cond3A_83 = arith.cmpi ne, %convert_element_type3A_81, %cond3A_82 : i32
    scf.if %cond3A_83 {
      %add3A_91 = arith.constant 32 : i32
      %add3A_92 = arith.addi %add3A_91, %add3A : i32
      %mul3A_93 = arith.constant 64 : i32
      %mul3A_94 = arith.muli %add3A_92, %mul3A_93 : i32
      %dma_start3A = tpu.memref_slice %arg5[%mul3A_94] : memref<320000xi32, #tpu.memory_space<hbm>> -> memref<64xi32, #tpu.memory_space<hbm>>
      %dma_start3A_95 = tpu.memref_slice %arg5[%mul3A_94] : memref<320000xi32, #tpu.memory_space<hbm>> -> memref<64xi32, #tpu.memory_space<hbm>>
      tpu.enqueue_dma source(%dma_start3A_95 : memref<64xi32, #tpu.memory_space<hbm>>) target(%arg10 : memref<64xi32, #tpu.memory_space<vmem>>) target_semaphore(%arg30 : memref<!tpu.dma_semaphore, #tpu.memory_space<semaphore_mem>>)
      %dma_start3A_96 = tpu.memref_slice %arg6[%mul3A_94] : memref<320000xi32, #tpu.memory_space<hbm>> -> memref<64xi32, #tpu.memory_space<hbm>>
      %dma_start3A_97 = tpu.memref_slice %arg6[%mul3A_94] : memref<320000xi32, #tpu.memory_space<hbm>> -> memref<64xi32, #tpu.memory_space<hbm>>
      tpu.enqueue_dma source(%dma_start3A_97 : memref<64xi32, #tpu.memory_space<hbm>>) target(%arg13 : memref<64xi32, #tpu.memory_space<vmem>>) target_semaphore(%arg30 : memref<!tpu.dma_semaphore, #tpu.memory_space<semaphore_mem>>)
    } else {
    }
    %scan3A_84 = arith.constant 0 : i32
    %scan3A_85 = arith.constant 0 : i32
    %scan3A_86 = arith.constant 53 : i32
    %scan3A_87 = arith.addi %scan3A_85, %scan3A_86 : i32
    %scan3A_88 = arith.constant 1 : i32
    scf.for %scan3A_91 = %scan3A_85 to %scan3A_87 step %scan3A_88  : i32 {
      %mul3A_92 = arith.constant 3 : i32
      %mul3A_93 = arith.muli %mul3A_92, %scan3A_91 : i32
      %add3A_94 = arith.constant 1 : i32
      %add3A_95 = arith.addi %mul3A_93, %add3A_94 : i32
      %mul3A_96 = arith.constant 32 : i32
      %mul3A_97 = arith.muli %add3A_95, %mul3A_96 : i32
      %add3A_98 = arith.addi %mul3A_97, %add3A : i32
      %ge3A_99 = arith.constant 0 : i32
      %ge3A_100 = arith.cmpi sge, %add3A_98, %ge3A_99 : i32
      %lt3A_101 = arith.constant 5000 : i32
      %lt3A_102 = arith.cmpi slt, %add3A_98, %lt3A_101 : i32
      %and3A_103 = arith.andi %ge3A_100, %lt3A_102 : i1
      %convert_element_type3A_104 = arith.extui %and3A_103 : i1 to i32
      %cond3A_105 = arith.constant 0 : i32
      %cond3A_106 = arith.cmpi ne, %convert_element_type3A_104, %cond3A_105 : i32
      scf.if %cond3A_106 {
        %mul3A_352 = arith.constant 32 : i32
        %mul3A_353 = arith.muli %add3A_95, %mul3A_352 : i32
        %add3A_354 = arith.addi %mul3A_353, %add3A : i32
        %mul3A_355 = arith.constant 64 : i32
        %mul3A_356 = arith.muli %add3A_354, %mul3A_355 : i32
        %dma_wait3A = tpu.memref_slice %arg5[%mul3A_356] : memref<320000xi32, #tpu.memory_space<hbm>> -> memref<64xi32, #tpu.memory_space<hbm>>
        %dma_wait3A_357 = tpu.memref_slice %arg5[%mul3A_356] : memref<320000xi32, #tpu.memory_space<hbm>> -> memref<64xi32, #tpu.memory_space<hbm>>
        tpu.wait_dma2 semaphore(%arg30 : memref<!tpu.dma_semaphore, #tpu.memory_space<semaphore_mem>>) src(%dma_wait3A_357 : memref<64xi32, #tpu.memory_space<hbm>>) dst(%arg10 : memref<64xi32, #tpu.memory_space<vmem>>)
        %dma_wait3A_358 = tpu.memref_slice %arg6[%mul3A_356] : memref<320000xi32, #tpu.memory_space<hbm>> -> memref<64xi32, #tpu.memory_space<hbm>>
        %dma_wait3A_359 = tpu.memref_slice %arg6[%mul3A_356] : memref<320000xi32, #tpu.memory_space<hbm>> -> memref<64xi32, #tpu.memory_space<hbm>>
        tpu.wait_dma2 semaphore(%arg30 : memref<!tpu.dma_semaphore, #tpu.memory_space<semaphore_mem>>) src(%dma_wait3A_359 : memref<64xi32, #tpu.memory_space<hbm>>) dst(%arg13 : memref<64xi32, #tpu.memory_space<vmem>>)
      } else {
      }
      %sub3A = arith.constant 2 : i32
      %sub3A_107 = arith.subi %mul3A_93, %sub3A : i32
      %mul3A_108 = arith.constant 32 : i32
      %mul3A_109 = arith.muli %sub3A_107, %mul3A_108 : i32
      %add3A_110 = arith.addi %mul3A_109, %add3A : i32
      %ge3A_111 = arith.constant 0 : i32
      %ge3A_112 = arith.cmpi sge, %add3A_110, %ge3A_111 : i32
      %lt3A_113 = arith.constant 5000 : i32
      %lt3A_114 = arith.cmpi slt, %add3A_110, %lt3A_113 : i32
      %and3A_115 = arith.andi %ge3A_112, %lt3A_114 : i1
      %convert_element_type3A_116 = arith.extui %and3A_115 : i1 to i32
      %cond3A_117 = arith.constant 0 : i32
      %cond3A_118 = arith.cmpi ne, %convert_element_type3A_116, %cond3A_117 : i32
      scf.if %cond3A_118 {
        %dma_wait3A = arith.constant 0 : i32
        %dma_wait3A_352 = arith.constant 0 : i32
        %dma_wait3A_353 = tpu.memref_slice %arg27[%dma_wait3A, %dma_wait3A_352] : memref<10240x128xf32, #tpu.memory_space<vmem_shared>> -> memref<10240x128xf32, #tpu.memory_space<vmem_shared>>
        tpu.wait_indirect_dma semaphore(%arg36 : memref<!tpu.dma_semaphore, #tpu.memory_space<semaphore_mem>>) src(%arg25 : memref<64x128xf32, #tpu.memory_space<vmem>>) dst(%dma_wait3A_353 : memref<10240x128xf32, #tpu.memory_space<vmem_shared>>)
        %dma_wait3A_354 = arith.constant 0 : i32
        %dma_wait3A_355 = arith.constant 0 : i32
        %dma_wait3A_356 = tpu.memref_slice %arg28[%dma_wait3A_354, %dma_wait3A_355] : memref<10240x16xf32, #tpu.memory_space<vmem_shared>> -> memref<10240x16xf32, #tpu.memory_space<vmem_shared>>
        tpu.wait_indirect_dma semaphore(%arg36 : memref<!tpu.dma_semaphore, #tpu.memory_space<semaphore_mem>>) src(%arg19 : memref<64x16xf32, #tpu.memory_space<vmem>>) dst(%dma_wait3A_356 : memref<10240x16xf32, #tpu.memory_space<vmem_shared>>)
      } else {
      }
      %add3A_119 = arith.constant 1 : i32
      %add3A_120 = arith.addi %mul3A_93, %add3A_119 : i32
      %mul3A_121 = arith.constant 32 : i32
      %mul3A_122 = arith.muli %add3A_120, %mul3A_121 : i32
      %add3A_123 = arith.addi %mul3A_122, %add3A : i32
      %ge3A_124 = arith.constant 0 : i32
      %ge3A_125 = arith.cmpi sge, %add3A_123, %ge3A_124 : i32
      %lt3A_126 = arith.constant 5000 : i32
      %lt3A_127 = arith.cmpi slt, %add3A_123, %lt3A_126 : i32
      %and3A_128 = arith.andi %ge3A_125, %lt3A_127 : i1
      %convert_element_type3A_129 = arith.extui %and3A_128 : i1 to i32
      %cond3A_130 = arith.constant 0 : i32
      %cond3A_131 = arith.cmpi ne, %convert_element_type3A_129, %cond3A_130 : i32
      scf.if %cond3A_131 {
        %dma_start3A = arith.constant 0 : i32
        %dma_start3A_352 = arith.constant 0 : i32
        %dma_start3A_353 = tpu.memref_slice %arg3[%dma_start3A, %dma_start3A_352] : memref<10000x16xf32, #tpu.memory_space<hbm>> -> memref<10000x16xf32, #tpu.memory_space<hbm>>
        tpu.enqueue_indirect_dma source(%dma_start3A_353 : memref<10000x16xf32, #tpu.memory_space<hbm>>) target(%arg19 : memref<64x16xf32, #tpu.memory_space<vmem>>) offsets(%arg10 : memref<64xi32, #tpu.memory_space<vmem>>) semaphore(%arg33 : memref<!tpu.dma_semaphore, #tpu.memory_space<semaphore_mem>>)
        %dma_start3A_354 = arith.constant 0 : i32
        %dma_start3A_355 = arith.constant 0 : i32
        %dma_start3A_356 = tpu.memref_slice %arg4[%dma_start3A_354, %dma_start3A_355] : memref<10000x16xf32, #tpu.memory_space<hbm>> -> memref<10000x16xf32, #tpu.memory_space<hbm>>
        tpu.enqueue_indirect_dma source(%dma_start3A_356 : memref<10000x16xf32, #tpu.memory_space<hbm>>) target(%arg22 : memref<64x16xf32, #tpu.memory_space<vmem>>) offsets(%arg13 : memref<64xi32, #tpu.memory_space<vmem>>) semaphore(%arg33 : memref<!tpu.dma_semaphore, #tpu.memory_space<semaphore_mem>>)
        %dma_start3A_357 = arith.constant 0 : i32
        %dma_start3A_358 = arith.constant 0 : i32
        %dma_start3A_359 = tpu.memref_slice %arg2[%dma_start3A_357, %dma_start3A_358] : memref<10000x128xf32, #tpu.memory_space<hbm>> -> memref<10000x128xf32, #tpu.memory_space<hbm>>
        tpu.enqueue_indirect_dma source(%dma_start3A_359 : memref<10000x128xf32, #tpu.memory_space<hbm>>) target(%arg25 : memref<64x128xf32, #tpu.memory_space<vmem>>) offsets(%arg10 : memref<64xi32, #tpu.memory_space<vmem>>) semaphore(%arg33 : memref<!tpu.dma_semaphore, #tpu.memory_space<semaphore_mem>>)
      } else {
      }
      %mul3A_132 = arith.constant 32 : i32
      %mul3A_133 = arith.muli %mul3A_93, %mul3A_132 : i32
      %add3A_134 = arith.addi %mul3A_133, %add3A : i32
      %ge3A_135 = arith.constant 0 : i32
      %ge3A_136 = arith.cmpi sge, %add3A_134, %ge3A_135 : i32
      %lt3A_137 = arith.constant 5000 : i32
      %lt3A_138 = arith.cmpi slt, %add3A_134, %lt3A_137 : i32
      %and3A_139 = arith.andi %ge3A_136, %lt3A_138 : i1
      %convert_element_type3A_140 = arith.extui %and3A_139 : i1 to i32
      %cond3A_141 = arith.constant 0 : i32
      %cond3A_142 = arith.cmpi ne, %convert_element_type3A_140, %cond3A_141 : i32
      scf.if %cond3A_142 {
        %dma_wait3A = arith.constant 0 : i32
        %dma_wait3A_352 = arith.constant 0 : i32
        %dma_wait3A_353 = tpu.memref_slice %arg3[%dma_wait3A, %dma_wait3A_352] : memref<10000x16xf32, #tpu.memory_space<hbm>> -> memref<10000x16xf32, #tpu.memory_space<hbm>>
        tpu.wait_indirect_dma semaphore(%arg32 : memref<!tpu.dma_semaphore, #tpu.memory_space<semaphore_mem>>) src(%dma_wait3A_353 : memref<10000x16xf32, #tpu.memory_space<hbm>>) dst(%arg18 : memref<64x16xf32, #tpu.memory_space<vmem>>)
        %dma_wait3A_354 = arith.constant 0 : i32
        %dma_wait3A_355 = arith.constant 0 : i32
        %dma_wait3A_356 = tpu.memref_slice %arg4[%dma_wait3A_354, %dma_wait3A_355] : memref<10000x16xf32, #tpu.memory_space<hbm>> -> memref<10000x16xf32, #tpu.memory_space<hbm>>
        tpu.wait_indirect_dma semaphore(%arg32 : memref<!tpu.dma_semaphore, #tpu.memory_space<semaphore_mem>>) src(%dma_wait3A_356 : memref<10000x16xf32, #tpu.memory_space<hbm>>) dst(%arg21 : memref<64x16xf32, #tpu.memory_space<vmem>>)
        %dma_wait3A_357 = arith.constant 0 : i32
        %dma_wait3A_358 = arith.constant 0 : i32
        %dma_wait3A_359 = tpu.memref_slice %arg2[%dma_wait3A_357, %dma_wait3A_358] : memref<10000x128xf32, #tpu.memory_space<hbm>> -> memref<10000x128xf32, #tpu.memory_space<hbm>>
        tpu.wait_indirect_dma semaphore(%arg32 : memref<!tpu.dma_semaphore, #tpu.memory_space<semaphore_mem>>) src(%dma_wait3A_359 : memref<10000x128xf32, #tpu.memory_space<hbm>>) dst(%arg24 : memref<64x128xf32, #tpu.memory_space<vmem>>)
      } else {
      }
      %mul3A_143 = arith.constant 32 : i32
      %mul3A_144 = arith.muli %mul3A_93, %mul3A_143 : i32
      %add3A_145 = arith.addi %mul3A_144, %add3A : i32
      %ge3A_146 = arith.constant 0 : i32
      %ge3A_147 = arith.cmpi sge, %add3A_145, %ge3A_146 : i32
      %lt3A_148 = arith.constant 5000 : i32
      %lt3A_149 = arith.cmpi slt, %add3A_145, %lt3A_148 : i32
      %and3A_150 = arith.andi %ge3A_147, %lt3A_149 : i1
      %convert_element_type3A_151 = arith.extui %and3A_150 : i1 to i32
      %cond3A_152 = arith.constant 0 : i32
      %cond3A_153 = arith.cmpi ne, %convert_element_type3A_151, %cond3A_152 : i32
      scf.if %cond3A_153 {
        %get3A = arith.constant 0 : index
        %get3A_352 = tpu.vector_load %arg12[%get3A] {strides = array<i32>} : memref<64xi32, #tpu.memory_space<vmem>>, vector<16xi32>,
        %get3A_353 = vector.shape_cast %get3A_352 : vector<16xi32> to vector<16xi32>
        %swap3A = arith.constant 0 : index
        %swap3A_354 = tpu.vector_load %arg15[%swap3A] {strides = array<i32>} : memref<64xi32, #tpu.memory_space<vmem>>, vector<16xi32>,
        %swap3A_355 = vector.shape_cast %swap3A_354 : vector<16xi32> to vector<16xi32>
        %swap3A_356 = vector.shape_cast %get3A_353 : vector<16xi32> to vector<16xi32>
        tpu.vector_store %arg15[%swap3A], %swap3A_356 {strides = array<i32>} : memref<64xi32, #tpu.memory_space<vmem>>, vector<16xi32>,
        %get3A_357 = arith.constant 16 : index
        %get3A_358 = tpu.vector_load %arg12[%get3A_357] {strides = array<i32>} : memref<64xi32, #tpu.memory_space<vmem>>, vector<16xi32>,
        %get3A_359 = vector.shape_cast %get3A_358 : vector<16xi32> to vector<16xi32>
        %swap3A_360 = arith.constant 16 : index
        %swap3A_361 = tpu.vector_load %arg15[%swap3A_360] {strides = array<i32>} : memref<64xi32, #tpu.memory_space<vmem>>, vector<16xi32>,
        %swap3A_362 = vector.shape_cast %swap3A_361 : vector<16xi32> to vector<16xi32>
        %swap3A_363 = vector.shape_cast %get3A_359 : vector<16xi32> to vector<16xi32>
        tpu.vector_store %arg15[%swap3A_360], %swap3A_363 {strides = array<i32>} : memref<64xi32, #tpu.memory_space<vmem>>, vector<16xi32>,
        %get3A_364 = arith.constant 32 : index
        %get3A_365 = tpu.vector_load %arg12[%get3A_364] {strides = array<i32>} : memref<64xi32, #tpu.memory_space<vmem>>, vector<16xi32>,
        %get3A_366 = vector.shape_cast %get3A_365 : vector<16xi32> to vector<16xi32>
        %swap3A_367 = arith.constant 32 : index
        %swap3A_368 = tpu.vector_load %arg15[%swap3A_367] {strides = array<i32>} : memref<64xi32, #tpu.memory_space<vmem>>, vector<16xi32>,
        %swap3A_369 = vector.shape_cast %swap3A_368 : vector<16xi32> to vector<16xi32>
        %swap3A_370 = vector.shape_cast %get3A_366 : vector<16xi32> to vector<16xi32>
        tpu.vector_store %arg15[%swap3A_367], %swap3A_370 {strides = array<i32>} : memref<64xi32, #tpu.memory_space<vmem>>, vector<16xi32>,
        %get3A_371 = arith.constant 48 : index
        %get3A_372 = tpu.vector_load %arg12[%get3A_371] {strides = array<i32>} : memref<64xi32, #tpu.memory_space<vmem>>, vector<16xi32>,
        %get3A_373 = vector.shape_cast %get3A_372 : vector<16xi32> to vector<16xi32>
        %swap3A_374 = arith.constant 48 : index
        %swap3A_375 = tpu.vector_load %arg15[%swap3A_374] {strides = array<i32>} : memref<64xi32, #tpu.memory_space<vmem>>, vector<16xi32>,
        %swap3A_376 = vector.shape_cast %swap3A_375 : vector<16xi32> to vector<16xi32>
        %swap3A_377 = vector.shape_cast %get3A_373 : vector<16xi32> to vector<16xi32>
        tpu.vector_store %arg15[%swap3A_374], %swap3A_377 {strides = array<i32>} : memref<64xi32, #tpu.memory_space<vmem>>, vector<16xi32>,
      } else {
      }
      %add3A_154 = arith.constant 2 : i32
      %add3A_155 = arith.addi %mul3A_93, %add3A_154 : i32
      %mul3A_156 = arith.constant 32 : i32
      %mul3A_157 = arith.muli %add3A_155, %mul3A_156 : i32
      %add3A_158 = arith.addi %mul3A_157, %add3A : i32
      %ge3A_159 = arith.constant 0 : i32
      %ge3A_160 = arith.cmpi sge, %add3A_158, %ge3A_159 : i32
      %lt3A_161 = arith.constant 5000 : i32
      %lt3A_162 = arith.cmpi slt, %add3A_158, %lt3A_161 : i32
      %and3A_163 = arith.andi %ge3A_160, %lt3A_162 : i1
      %convert_element_type3A_164 = arith.extui %and3A_163 : i1 to i32
      %cond3A_165 = arith.constant 0 : i32
      %cond3A_166 = arith.cmpi ne, %convert_element_type3A_164, %cond3A_165 : i32
      scf.if %cond3A_166 {
        %mul3A_352 = arith.constant 32 : i32
        %mul3A_353 = arith.muli %add3A_155, %mul3A_352 : i32
        %add3A_354 = arith.addi %mul3A_353, %add3A : i32
        %mul3A_355 = arith.constant 64 : i32
        %mul3A_356 = arith.muli %add3A_354, %mul3A_355 : i32
        %dma_start3A = tpu.memref_slice %arg5[%mul3A_356] : memref<320000xi32, #tpu.memory_space<hbm>> -> memref<64xi32, #tpu.memory_space<hbm>>
        %dma_start3A_357 = tpu.memref_slice %arg5[%mul3A_356] : memref<320000xi32, #tpu.memory_space<hbm>> -> memref<64xi32, #tpu.memory_space<hbm>>
        tpu.enqueue_dma source(%dma_start3A_357 : memref<64xi32, #tpu.memory_space<hbm>>) target(%arg11 : memref<64xi32, #tpu.memory_space<vmem>>) target_semaphore(%arg31 : memref<!tpu.dma_semaphore, #tpu.memory_space<semaphore_mem>>)
        %dma_start3A_358 = tpu.memref_slice %arg6[%mul3A_356] : memref<320000xi32, #tpu.memory_space<hbm>> -> memref<64xi32, #tpu.memory_space<hbm>>
        %dma_start3A_359 = tpu.memref_slice %arg6[%mul3A_356] : memref<320000xi32, #tpu.memory_space<hbm>> -> memref<64xi32, #tpu.memory_space<hbm>>
        tpu.enqueue_dma source(%dma_start3A_359 : memref<64xi32, #tpu.memory_space<hbm>>) target(%arg14 : memref<64xi32, #tpu.memory_space<vmem>>) target_semaphore(%arg31 : memref<!tpu.dma_semaphore, #tpu.memory_space<semaphore_mem>>)
      } else {
      }
      %mul3A_167 = arith.constant 32 : i32
      %mul3A_168 = arith.muli %mul3A_93, %mul3A_167 : i32
      %add3A_169 = arith.addi %mul3A_168, %add3A : i32
      %ge3A_170 = arith.constant 0 : i32
      %ge3A_171 = arith.cmpi sge, %add3A_169, %ge3A_170 : i32
      %lt3A_172 = arith.constant 5000 : i32
      %lt3A_173 = arith.cmpi slt, %add3A_169, %lt3A_172 : i32
      %and3A_174 = arith.andi %ge3A_171, %lt3A_173 : i1
      %convert_element_type3A_175 = arith.extui %and3A_174 : i1 to i32
      %cond3A_176 = arith.constant 0 : i32
      %cond3A_177 = arith.cmpi ne, %convert_element_type3A_175, %cond3A_176 : i32
      scf.if %cond3A_177 {
        %dma_start3A = arith.constant 0 : i32
        %dma_start3A_352 = arith.constant 0 : i32
        %dma_start3A_353 = tpu.memref_slice %arg27[%dma_start3A, %dma_start3A_352] : memref<10240x128xf32, #tpu.memory_space<vmem_shared>> -> memref<10240x128xf32, #tpu.memory_space<vmem_shared>>
        tpu.enqueue_indirect_dma source(%arg24 : memref<64x128xf32, #tpu.memory_space<vmem>>) target(%dma_start3A_353 : memref<10240x128xf32, #tpu.memory_space<vmem_shared>>) offsets(%arg15 : memref<64xi32, #tpu.memory_space<vmem>>) semaphore(%arg35 : memref<!tpu.dma_semaphore, #tpu.memory_space<semaphore_mem>>) {add = true}
        %dma_start3A_354 = arith.constant 0 : i32
        %dma_start3A_355 = arith.constant 0 : i32
        %dma_start3A_356 = tpu.memref_slice %arg28[%dma_start3A_354, %dma_start3A_355] : memref<10240x16xf32, #tpu.memory_space<vmem_shared>> -> memref<10240x16xf32, #tpu.memory_space<vmem_shared>>
        tpu.enqueue_indirect_dma source(%arg18 : memref<64x16xf32, #tpu.memory_space<vmem>>) target(%dma_start3A_356 : memref<10240x16xf32, #tpu.memory_space<vmem_shared>>) offsets(%arg15 : memref<64xi32, #tpu.memory_space<vmem>>) semaphore(%arg35 : memref<!tpu.dma_semaphore, #tpu.memory_space<semaphore_mem>>) {add = true}
      } else {
      }
      %add3A_178 = arith.constant 1 : i32
      %add3A_179 = arith.addi %mul3A_93, %add3A_178 : i32
      %add3A_180 = arith.constant 1 : i32
      %add3A_181 = arith.addi %add3A_179, %add3A_180 : i32
      %mul3A_182 = arith.constant 32 : i32
      %mul3A_183 = arith.muli %add3A_181, %mul3A_182 : i32
      %add3A_184 = arith.addi %mul3A_183, %add3A : i32
      %ge3A_185 = arith.constant 0 : i32
      %ge3A_186 = arith.cmpi sge, %add3A_184, %ge3A_185 : i32
      %lt3A_187 = arith.constant 5000 : i32
      %lt3A_188 = arith.cmpi slt, %add3A_184, %lt3A_187 : i32
      %and3A_189 = arith.andi %ge3A_186, %lt3A_188 : i1
      %convert_element_type3A_190 = arith.extui %and3A_189 : i1 to i32
      %cond3A_191 = arith.constant 0 : i32
      %cond3A_192 = arith.cmpi ne, %convert_element_type3A_190, %cond3A_191 : i32
      scf.if %cond3A_192 {
        %mul3A_352 = arith.constant 32 : i32
        %mul3A_353 = arith.muli %add3A_181, %mul3A_352 : i32
        %add3A_354 = arith.addi %mul3A_353, %add3A : i32
        %mul3A_355 = arith.constant 64 : i32
        %mul3A_356 = arith.muli %add3A_354, %mul3A_355 : i32
        %dma_wait3A = tpu.memref_slice %arg5[%mul3A_356] : memref<320000xi32, #tpu.memory_space<hbm>> -> memref<64xi32, #tpu.memory_space<hbm>>
        %dma_wait3A_357 = tpu.memref_slice %arg5[%mul3A_356] : memref<320000xi32, #tpu.memory_space<hbm>> -> memref<64xi32, #tpu.memory_space<hbm>>
        tpu.wait_dma2 semaphore(%arg31 : memref<!tpu.dma_semaphore, #tpu.memory_space<semaphore_mem>>) src(%dma_wait3A_357 : memref<64xi32, #tpu.memory_space<hbm>>) dst(%arg11 : memref<64xi32, #tpu.memory_space<vmem>>)
        %dma_wait3A_358 = tpu.memref_slice %arg6[%mul3A_356] : memref<320000xi32, #tpu.memory_space<hbm>> -> memref<64xi32, #tpu.memory_space<hbm>>
        %dma_wait3A_359 = tpu.memref_slice %arg6[%mul3A_356] : memref<320000xi32, #tpu.memory_space<hbm>> -> memref<64xi32, #tpu.memory_space<hbm>>
        tpu.wait_dma2 semaphore(%arg31 : memref<!tpu.dma_semaphore, #tpu.memory_space<semaphore_mem>>) src(%dma_wait3A_359 : memref<64xi32, #tpu.memory_space<hbm>>) dst(%arg14 : memref<64xi32, #tpu.memory_space<vmem>>)
      } else {
      }
      %sub3A_193 = arith.constant 2 : i32
      %sub3A_194 = arith.subi %add3A_179, %sub3A_193 : i32
      %mul3A_195 = arith.constant 32 : i32
      %mul3A_196 = arith.muli %sub3A_194, %mul3A_195 : i32
      %add3A_197 = arith.addi %mul3A_196, %add3A : i32
      %ge3A_198 = arith.constant 0 : i32
      %ge3A_199 = arith.cmpi sge, %add3A_197, %ge3A_198 : i32
      %lt3A_200 = arith.constant 5000 : i32
      %lt3A_201 = arith.cmpi slt, %add3A_197, %lt3A_200 : i32
      %and3A_202 = arith.andi %ge3A_199, %lt3A_201 : i1
      %convert_element_type3A_203 = arith.extui %and3A_202 : i1 to i32
      %cond3A_204 = arith.constant 0 : i32
      %cond3A_205 = arith.cmpi ne, %convert_element_type3A_203, %cond3A_204 : i32
      scf.if %cond3A_205 {
        %dma_wait3A = arith.constant 0 : i32
        %dma_wait3A_352 = arith.constant 0 : i32
        %dma_wait3A_353 = tpu.memref_slice %arg27[%dma_wait3A, %dma_wait3A_352] : memref<10240x128xf32, #tpu.memory_space<vmem_shared>> -> memref<10240x128xf32, #tpu.memory_space<vmem_shared>>
        tpu.wait_indirect_dma semaphore(%arg37 : memref<!tpu.dma_semaphore, #tpu.memory_space<semaphore_mem>>) src(%arg26 : memref<64x128xf32, #tpu.memory_space<vmem>>) dst(%dma_wait3A_353 : memref<10240x128xf32, #tpu.memory_space<vmem_shared>>)
        %dma_wait3A_354 = arith.constant 0 : i32
        %dma_wait3A_355 = arith.constant 0 : i32
        %dma_wait3A_356 = tpu.memref_slice %arg28[%dma_wait3A_354, %dma_wait3A_355] : memref<10240x16xf32, #tpu.memory_space<vmem_shared>> -> memref<10240x16xf32, #tpu.memory_space<vmem_shared>>
        tpu.wait_indirect_dma semaphore(%arg37 : memref<!tpu.dma_semaphore, #tpu.memory_space<semaphore_mem>>) src(%arg20 : memref<64x16xf32, #tpu.memory_space<vmem>>) dst(%dma_wait3A_356 : memref<10240x16xf32, #tpu.memory_space<vmem_shared>>)
      } else {
      }
      %add3A_206 = arith.constant 1 : i32
      %add3A_207 = arith.addi %add3A_179, %add3A_206 : i32
      %mul3A_208 = arith.constant 32 : i32
      %mul3A_209 = arith.muli %add3A_207, %mul3A_208 : i32
      %add3A_210 = arith.addi %mul3A_209, %add3A : i32
      %ge3A_211 = arith.constant 0 : i32
      %ge3A_212 = arith.cmpi sge, %add3A_210, %ge3A_211 : i32
      %lt3A_213 = arith.constant 5000 : i32
      %lt3A_214 = arith.cmpi slt, %add3A_210, %lt3A_213 : i32
      %and3A_215 = arith.andi %ge3A_212, %lt3A_214 : i1
      %convert_element_type3A_216 = arith.extui %and3A_215 : i1 to i32
      %cond3A_217 = arith.constant 0 : i32
      %cond3A_218 = arith.cmpi ne, %convert_element_type3A_216, %cond3A_217 : i32
      scf.if %cond3A_218 {
        %dma_start3A = arith.constant 0 : i32
        %dma_start3A_352 = arith.constant 0 : i32
        %dma_start3A_353 = tpu.memref_slice %arg3[%dma_start3A, %dma_start3A_352] : memref<10000x16xf32, #tpu.memory_space<hbm>> -> memref<10000x16xf32, #tpu.memory_space<hbm>>
        tpu.enqueue_indirect_dma source(%dma_start3A_353 : memref<10000x16xf32, #tpu.memory_space<hbm>>) target(%arg20 : memref<64x16xf32, #tpu.memory_space<vmem>>) offsets(%arg11 : memref<64xi32, #tpu.memory_space<vmem>>) semaphore(%arg34 : memref<!tpu.dma_semaphore, #tpu.memory_space<semaphore_mem>>)
        %dma_start3A_354 = arith.constant 0 : i32
        %dma_start3A_355 = arith.constant 0 : i32
        %dma_start3A_356 = tpu.memref_slice %arg4[%dma_start3A_354, %dma_start3A_355] : memref<10000x16xf32, #tpu.memory_space<hbm>> -> memref<10000x16xf32, #tpu.memory_space<hbm>>
        tpu.enqueue_indirect_dma source(%dma_start3A_356 : memref<10000x16xf32, #tpu.memory_space<hbm>>) target(%arg23 : memref<64x16xf32, #tpu.memory_space<vmem>>) offsets(%arg14 : memref<64xi32, #tpu.memory_space<vmem>>) semaphore(%arg34 : memref<!tpu.dma_semaphore, #tpu.memory_space<semaphore_mem>>)
        %dma_start3A_357 = arith.constant 0 : i32
        %dma_start3A_358 = arith.constant 0 : i32
        %dma_start3A_359 = tpu.memref_slice %arg2[%dma_start3A_357, %dma_start3A_358] : memref<10000x128xf32, #tpu.memory_space<hbm>> -> memref<10000x128xf32, #tpu.memory_space<hbm>>
        tpu.enqueue_indirect_dma source(%dma_start3A_359 : memref<10000x128xf32, #tpu.memory_space<hbm>>) target(%arg26 : memref<64x128xf32, #tpu.memory_space<vmem>>) offsets(%arg11 : memref<64xi32, #tpu.memory_space<vmem>>) semaphore(%arg34 : memref<!tpu.dma_semaphore, #tpu.memory_space<semaphore_mem>>)
      } else {
      }
      %mul3A_219 = arith.constant 32 : i32
      %mul3A_220 = arith.muli %add3A_179, %mul3A_219 : i32
      %add3A_221 = arith.addi %mul3A_220, %add3A : i32
      %ge3A_222 = arith.constant 0 : i32
      %ge3A_223 = arith.cmpi sge, %add3A_221, %ge3A_222 : i32
      %lt3A_224 = arith.constant 5000 : i32
      %lt3A_225 = arith.cmpi slt, %add3A_221, %lt3A_224 : i32
      %and3A_226 = arith.andi %ge3A_223, %lt3A_225 : i1
      %convert_element_type3A_227 = arith.extui %and3A_226 : i1 to i32
      %cond3A_228 = arith.constant 0 : i32
      %cond3A_229 = arith.cmpi ne, %convert_element_type3A_227, %cond3A_228 : i32
      scf.if %cond3A_229 {
        %dma_wait3A = arith.constant 0 : i32
        %dma_wait3A_352 = arith.constant 0 : i32
        %dma_wait3A_353 = tpu.memref_slice %arg3[%dma_wait3A, %dma_wait3A_352] : memref<10000x16xf32, #tpu.memory_space<hbm>> -> memref<10000x16xf32, #tpu.memory_space<hbm>>
        tpu.wait_indirect_dma semaphore(%arg33 : memref<!tpu.dma_semaphore, #tpu.memory_space<semaphore_mem>>) src(%dma_wait3A_353 : memref<10000x16xf32, #tpu.memory_space<hbm>>) dst(%arg19 : memref<64x16xf32, #tpu.memory_space<vmem>>)
        %dma_wait3A_354 = arith.constant 0 : i32
        %dma_wait3A_355 = arith.constant 0 : i32
        %dma_wait3A_356 = tpu.memref_slice %arg4[%dma_wait3A_354, %dma_wait3A_355] : memref<10000x16xf32, #tpu.memory_space<hbm>> -> memref<10000x16xf32, #tpu.memory_space<hbm>>
        tpu.wait_indirect_dma semaphore(%arg33 : memref<!tpu.dma_semaphore, #tpu.memory_space<semaphore_mem>>) src(%dma_wait3A_356 : memref<10000x16xf32, #tpu.memory_space<hbm>>) dst(%arg22 : memref<64x16xf32, #tpu.memory_space<vmem>>)
        %dma_wait3A_357 = arith.constant 0 : i32
        %dma_wait3A_358 = arith.constant 0 : i32
        %dma_wait3A_359 = tpu.memref_slice %arg2[%dma_wait3A_357, %dma_wait3A_358] : memref<10000x128xf32, #tpu.memory_space<hbm>> -> memref<10000x128xf32, #tpu.memory_space<hbm>>
        tpu.wait_indirect_dma semaphore(%arg33 : memref<!tpu.dma_semaphore, #tpu.memory_space<semaphore_mem>>) src(%dma_wait3A_359 : memref<10000x128xf32, #tpu.memory_space<hbm>>) dst(%arg25 : memref<64x128xf32, #tpu.memory_space<vmem>>)
      } else {
      }
      %mul3A_230 = arith.constant 32 : i32
      %mul3A_231 = arith.muli %add3A_179, %mul3A_230 : i32
      %add3A_232 = arith.addi %mul3A_231, %add3A : i32
      %ge3A_233 = arith.constant 0 : i32
      %ge3A_234 = arith.cmpi sge, %add3A_232, %ge3A_233 : i32
      %lt3A_235 = arith.constant 5000 : i32
      %lt3A_236 = arith.cmpi slt, %add3A_232, %lt3A_235 : i32
      %and3A_237 = arith.andi %ge3A_234, %lt3A_236 : i1
      %convert_element_type3A_238 = arith.extui %and3A_237 : i1 to i32
      %cond3A_239 = arith.constant 0 : i32
      %cond3A_240 = arith.cmpi ne, %convert_element_type3A_238, %cond3A_239 : i32
      scf.if %cond3A_240 {
        %get3A = arith.constant 0 : index
        %get3A_352 = tpu.vector_load %arg13[%get3A] {strides = array<i32>} : memref<64xi32, #tpu.memory_space<vmem>>, vector<16xi32>,
        %get3A_353 = vector.shape_cast %get3A_352 : vector<16xi32> to vector<16xi32>
        %swap3A = arith.constant 0 : index
        %swap3A_354 = tpu.vector_load %arg16[%swap3A] {strides = array<i32>} : memref<64xi32, #tpu.memory_space<vmem>>, vector<16xi32>,
        %swap3A_355 = vector.shape_cast %swap3A_354 : vector<16xi32> to vector<16xi32>
        %swap3A_356 = vector.shape_cast %get3A_353 : vector<16xi32> to vector<16xi32>
        tpu.vector_store %arg16[%swap3A], %swap3A_356 {strides = array<i32>} : memref<64xi32, #tpu.memory_space<vmem>>, vector<16xi32>,
        %get3A_357 = arith.constant 16 : index
        %get3A_358 = tpu.vector_load %arg13[%get3A_357] {strides = array<i32>} : memref<64xi32, #tpu.memory_space<vmem>>, vector<16xi32>,
        %get3A_359 = vector.shape_cast %get3A_358 : vector<16xi32> to vector<16xi32>
        %swap3A_360 = arith.constant 16 : index
        %swap3A_361 = tpu.vector_load %arg16[%swap3A_360] {strides = array<i32>} : memref<64xi32, #tpu.memory_space<vmem>>, vector<16xi32>,
        %swap3A_362 = vector.shape_cast %swap3A_361 : vector<16xi32> to vector<16xi32>
        %swap3A_363 = vector.shape_cast %get3A_359 : vector<16xi32> to vector<16xi32>
        tpu.vector_store %arg16[%swap3A_360], %swap3A_363 {strides = array<i32>} : memref<64xi32, #tpu.memory_space<vmem>>, vector<16xi32>,
        %get3A_364 = arith.constant 32 : index
        %get3A_365 = tpu.vector_load %arg13[%get3A_364] {strides = array<i32>} : memref<64xi32, #tpu.memory_space<vmem>>, vector<16xi32>,
        %get3A_366 = vector.shape_cast %get3A_365 : vector<16xi32> to vector<16xi32>
        %swap3A_367 = arith.constant 32 : index
        %swap3A_368 = tpu.vector_load %arg16[%swap3A_367] {strides = array<i32>} : memref<64xi32, #tpu.memory_space<vmem>>, vector<16xi32>,
        %swap3A_369 = vector.shape_cast %swap3A_368 : vector<16xi32> to vector<16xi32>
        %swap3A_370 = vector.shape_cast %get3A_366 : vector<16xi32> to vector<16xi32>
        tpu.vector_store %arg16[%swap3A_367], %swap3A_370 {strides = array<i32>} : memref<64xi32, #tpu.memory_space<vmem>>, vector<16xi32>,
        %get3A_371 = arith.constant 48 : index
        %get3A_372 = tpu.vector_load %arg13[%get3A_371] {strides = array<i32>} : memref<64xi32, #tpu.memory_space<vmem>>, vector<16xi32>,
        %get3A_373 = vector.shape_cast %get3A_372 : vector<16xi32> to vector<16xi32>
        %swap3A_374 = arith.constant 48 : index
        %swap3A_375 = tpu.vector_load %arg16[%swap3A_374] {strides = array<i32>} : memref<64xi32, #tpu.memory_space<vmem>>, vector<16xi32>,
        %swap3A_376 = vector.shape_cast %swap3A_375 : vector<16xi32> to vector<16xi32>
        %swap3A_377 = vector.shape_cast %get3A_373 : vector<16xi32> to vector<16xi32>
        tpu.vector_store %arg16[%swap3A_374], %swap3A_377 {strides = array<i32>} : memref<64xi32, #tpu.memory_space<vmem>>, vector<16xi32>,
      } else {
      }
      %add3A_241 = arith.constant 2 : i32
      %add3A_242 = arith.addi %add3A_179, %add3A_241 : i32
      %mul3A_243 = arith.constant 32 : i32
      %mul3A_244 = arith.muli %add3A_242, %mul3A_243 : i32
      %add3A_245 = arith.addi %mul3A_244, %add3A : i32
      %ge3A_246 = arith.constant 0 : i32
      %ge3A_247 = arith.cmpi sge, %add3A_245, %ge3A_246 : i32
      %lt3A_248 = arith.constant 5000 : i32
      %lt3A_249 = arith.cmpi slt, %add3A_245, %lt3A_248 : i32
      %and3A_250 = arith.andi %ge3A_247, %lt3A_249 : i1
      %convert_element_type3A_251 = arith.extui %and3A_250 : i1 to i32
      %cond3A_252 = arith.constant 0 : i32
      %cond3A_253 = arith.cmpi ne, %convert_element_type3A_251, %cond3A_252 : i32
      scf.if %cond3A_253 {
        %mul3A_352 = arith.constant 32 : i32
        %mul3A_353 = arith.muli %add3A_242, %mul3A_352 : i32
        %add3A_354 = arith.addi %mul3A_353, %add3A : i32
        %mul3A_355 = arith.constant 64 : i32
        %mul3A_356 = arith.muli %add3A_354, %mul3A_355 : i32
        %dma_start3A = tpu.memref_slice %arg5[%mul3A_356] : memref<320000xi32, #tpu.memory_space<hbm>> -> memref<64xi32, #tpu.memory_space<hbm>>
        %dma_start3A_357 = tpu.memref_slice %arg5[%mul3A_356] : memref<320000xi32, #tpu.memory_space<hbm>> -> memref<64xi32, #tpu.memory_space<hbm>>
        tpu.enqueue_dma source(%dma_start3A_357 : memref<64xi32, #tpu.memory_space<hbm>>) target(%arg9 : memref<64xi32, #tpu.memory_space<vmem>>) target_semaphore(%arg29 : memref<!tpu.dma_semaphore, #tpu.memory_space<semaphore_mem>>)
        %dma_start3A_358 = tpu.memref_slice %arg6[%mul3A_356] : memref<320000xi32, #tpu.memory_space<hbm>> -> memref<64xi32, #tpu.memory_space<hbm>>
        %dma_start3A_359 = tpu.memref_slice %arg6[%mul3A_356] : memref<320000xi32, #tpu.memory_space<hbm>> -> memref<64xi32, #tpu.memory_space<hbm>>
        tpu.enqueue_dma source(%dma_start3A_359 : memref<64xi32, #tpu.memory_space<hbm>>) target(%arg12 : memref<64xi32, #tpu.memory_space<vmem>>) target_semaphore(%arg29 : memref<!tpu.dma_semaphore, #tpu.memory_space<semaphore_mem>>)
      } else {
      }
      %mul3A_254 = arith.constant 32 : i32
      %mul3A_255 = arith.muli %add3A_179, %mul3A_254 : i32
      %add3A_256 = arith.addi %mul3A_255, %add3A : i32
      %ge3A_257 = arith.constant 0 : i32
      %ge3A_258 = arith.cmpi sge, %add3A_256, %ge3A_257 : i32
      %lt3A_259 = arith.constant 5000 : i32
      %lt3A_260 = arith.cmpi slt, %add3A_256, %lt3A_259 : i32
      %and3A_261 = arith.andi %ge3A_258, %lt3A_260 : i1
      %convert_element_type3A_262 = arith.extui %and3A_261 : i1 to i32
      %cond3A_263 = arith.constant 0 : i32
      %cond3A_264 = arith.cmpi ne, %convert_element_type3A_262, %cond3A_263 : i32
      scf.if %cond3A_264 {
        %dma_start3A = arith.constant 0 : i32
        %dma_start3A_352 = arith.constant 0 : i32
        %dma_start3A_353 = tpu.memref_slice %arg27[%dma_start3A, %dma_start3A_352] : memref<10240x128xf32, #tpu.memory_space<vmem_shared>> -> memref<10240x128xf32, #tpu.memory_space<vmem_shared>>
        tpu.enqueue_indirect_dma source(%arg25 : memref<64x128xf32, #tpu.memory_space<vmem>>) target(%dma_start3A_353 : memref<10240x128xf32, #tpu.memory_space<vmem_shared>>) offsets(%arg16 : memref<64xi32, #tpu.memory_space<vmem>>) semaphore(%arg36 : memref<!tpu.dma_semaphore, #tpu.memory_space<semaphore_mem>>) {add = true}
        %dma_start3A_354 = arith.constant 0 : i32
        %dma_start3A_355 = arith.constant 0 : i32
        %dma_start3A_356 = tpu.memref_slice %arg28[%dma_start3A_354, %dma_start3A_355] : memref<10240x16xf32, #tpu.memory_space<vmem_shared>> -> memref<10240x16xf32, #tpu.memory_space<vmem_shared>>
        tpu.enqueue_indirect_dma source(%arg19 : memref<64x16xf32, #tpu.memory_space<vmem>>) target(%dma_start3A_356 : memref<10240x16xf32, #tpu.memory_space<vmem_shared>>) offsets(%arg16 : memref<64xi32, #tpu.memory_space<vmem>>) semaphore(%arg36 : memref<!tpu.dma_semaphore, #tpu.memory_space<semaphore_mem>>) {add = true}
      } else {
      }
      %add3A_265 = arith.constant 2 : i32
      %add3A_266 = arith.addi %mul3A_93, %add3A_265 : i32
      %add3A_267 = arith.constant 1 : i32
      %add3A_268 = arith.addi %add3A_266, %add3A_267 : i32
      %mul3A_269 = arith.constant 32 : i32
      %mul3A_270 = arith.muli %add3A_268, %mul3A_269 : i32
      %add3A_271 = arith.addi %mul3A_270, %add3A : i32
      %ge3A_272 = arith.constant 0 : i32
      %ge3A_273 = arith.cmpi sge, %add3A_271, %ge3A_272 : i32
      %lt3A_274 = arith.constant 5000 : i32
      %lt3A_275 = arith.cmpi slt, %add3A_271, %lt3A_274 : i32
      %and3A_276 = arith.andi %ge3A_273, %lt3A_275 : i1
      %convert_element_type3A_277 = arith.extui %and3A_276 : i1 to i32
      %cond3A_278 = arith.constant 0 : i32
      %cond3A_279 = arith.cmpi ne, %convert_element_type3A_277, %cond3A_278 : i32
      scf.if %cond3A_279 {
        %mul3A_352 = arith.constant 32 : i32
        %mul3A_353 = arith.muli %add3A_268, %mul3A_352 : i32
        %add3A_354 = arith.addi %mul3A_353, %add3A : i32
        %mul3A_355 = arith.constant 64 : i32
        %mul3A_356 = arith.muli %add3A_354, %mul3A_355 : i32
        %dma_wait3A = tpu.memref_slice %arg5[%mul3A_356] : memref<320000xi32, #tpu.memory_space<hbm>> -> memref<64xi32, #tpu.memory_space<hbm>>
        %dma_wait3A_357 = tpu.memref_slice %arg5[%mul3A_356] : memref<320000xi32, #tpu.memory_space<hbm>> -> memref<64xi32, #tpu.memory_space<hbm>>
        tpu.wait_dma2 semaphore(%arg29 : memref<!tpu.dma_semaphore, #tpu.memory_space<semaphore_mem>>) src(%dma_wait3A_357 : memref<64xi32, #tpu.memory_space<hbm>>) dst(%arg9 : memref<64xi32, #tpu.memory_space<vmem>>)
        %dma_wait3A_358 = tpu.memref_slice %arg6[%mul3A_356] : memref<320000xi32, #tpu.memory_space<hbm>> -> memref<64xi32, #tpu.memory_space<hbm>>
        %dma_wait3A_359 = tpu.memref_slice %arg6[%mul3A_356] : memref<320000xi32, #tpu.memory_space<hbm>> -> memref<64xi32, #tpu.memory_space<hbm>>
        tpu.wait_dma2 semaphore(%arg29 : memref<!tpu.dma_semaphore, #tpu.memory_space<semaphore_mem>>) src(%dma_wait3A_359 : memref<64xi32, #tpu.memory_space<hbm>>) dst(%arg12 : memref<64xi32, #tpu.memory_space<vmem>>)
      } else {
      }
      %sub3A_280 = arith.constant 2 : i32
      %sub3A_281 = arith.subi %add3A_266, %sub3A_280 : i32
      %mul3A_282 = arith.constant 32 : i32
      %mul3A_283 = arith.muli %sub3A_281, %mul3A_282 : i32
      %add3A_284 = arith.addi %mul3A_283, %add3A : i32
      %ge3A_285 = arith.constant 0 : i32
      %ge3A_286 = arith.cmpi sge, %add3A_284, %ge3A_285 : i32
      %lt3A_287 = arith.constant 5000 : i32
      %lt3A_288 = arith.cmpi slt, %add3A_284, %lt3A_287 : i32
      %and3A_289 = arith.andi %ge3A_286, %lt3A_288 : i1
      %convert_element_type3A_290 = arith.extui %and3A_289 : i1 to i32
      %cond3A_291 = arith.constant 0 : i32
      %cond3A_292 = arith.cmpi ne, %convert_element_type3A_290, %cond3A_291 : i32
      scf.if %cond3A_292 {
        %dma_wait3A = arith.constant 0 : i32
        %dma_wait3A_352 = arith.constant 0 : i32
        %dma_wait3A_353 = tpu.memref_slice %arg27[%dma_wait3A, %dma_wait3A_352] : memref<10240x128xf32, #tpu.memory_space<vmem_shared>> -> memref<10240x128xf32, #tpu.memory_space<vmem_shared>>
        tpu.wait_indirect_dma semaphore(%arg35 : memref<!tpu.dma_semaphore, #tpu.memory_space<semaphore_mem>>) src(%arg24 : memref<64x128xf32, #tpu.memory_space<vmem>>) dst(%dma_wait3A_353 : memref<10240x128xf32, #tpu.memory_space<vmem_shared>>)
        %dma_wait3A_354 = arith.constant 0 : i32
        %dma_wait3A_355 = arith.constant 0 : i32
        %dma_wait3A_356 = tpu.memref_slice %arg28[%dma_wait3A_354, %dma_wait3A_355] : memref<10240x16xf32, #tpu.memory_space<vmem_shared>> -> memref<10240x16xf32, #tpu.memory_space<vmem_shared>>
        tpu.wait_indirect_dma semaphore(%arg35 : memref<!tpu.dma_semaphore, #tpu.memory_space<semaphore_mem>>) src(%arg18 : memref<64x16xf32, #tpu.memory_space<vmem>>) dst(%dma_wait3A_356 : memref<10240x16xf32, #tpu.memory_space<vmem_shared>>)
      } else {
      }
      %add3A_293 = arith.constant 1 : i32
      %add3A_294 = arith.addi %add3A_266, %add3A_293 : i32
      %mul3A_295 = arith.constant 32 : i32
      %mul3A_296 = arith.muli %add3A_294, %mul3A_295 : i32
      %add3A_297 = arith.addi %mul3A_296, %add3A : i32
      %ge3A_298 = arith.constant 0 : i32
      %ge3A_299 = arith.cmpi sge, %add3A_297, %ge3A_298 : i32
      %lt3A_300 = arith.constant 5000 : i32
      %lt3A_301 = arith.cmpi slt, %add3A_297, %lt3A_300 : i32
      %and3A_302 = arith.andi %ge3A_299, %lt3A_301 : i1
      %convert_element_type3A_303 = arith.extui %and3A_302 : i1 to i32
      %cond3A_304 = arith.constant 0 : i32
      %cond3A_305 = arith.cmpi ne, %convert_element_type3A_303, %cond3A_304 : i32
      scf.if %cond3A_305 {
        %dma_start3A = arith.constant 0 : i32
        %dma_start3A_352 = arith.constant 0 : i32
        %dma_start3A_353 = tpu.memref_slice %arg3[%dma_start3A, %dma_start3A_352] : memref<10000x16xf32, #tpu.memory_space<hbm>> -> memref<10000x16xf32, #tpu.memory_space<hbm>>
        tpu.enqueue_indirect_dma source(%dma_start3A_353 : memref<10000x16xf32, #tpu.memory_space<hbm>>) target(%arg18 : memref<64x16xf32, #tpu.memory_space<vmem>>) offsets(%arg9 : memref<64xi32, #tpu.memory_space<vmem>>) semaphore(%arg32 : memref<!tpu.dma_semaphore, #tpu.memory_space<semaphore_mem>>)
        %dma_start3A_354 = arith.constant 0 : i32
        %dma_start3A_355 = arith.constant 0 : i32
        %dma_start3A_356 = tpu.memref_slice %arg4[%dma_start3A_354, %dma_start3A_355] : memref<10000x16xf32, #tpu.memory_space<hbm>> -> memref<10000x16xf32, #tpu.memory_space<hbm>>
        tpu.enqueue_indirect_dma source(%dma_start3A_356 : memref<10000x16xf32, #tpu.memory_space<hbm>>) target(%arg21 : memref<64x16xf32, #tpu.memory_space<vmem>>) offsets(%arg12 : memref<64xi32, #tpu.memory_space<vmem>>) semaphore(%arg32 : memref<!tpu.dma_semaphore, #tpu.memory_space<semaphore_mem>>)
        %dma_start3A_357 = arith.constant 0 : i32
        %dma_start3A_358 = arith.constant 0 : i32
        %dma_start3A_359 = tpu.memref_slice %arg2[%dma_start3A_357, %dma_start3A_358] : memref<10000x128xf32, #tpu.memory_space<hbm>> -> memref<10000x128xf32, #tpu.memory_space<hbm>>
        tpu.enqueue_indirect_dma source(%dma_start3A_359 : memref<10000x128xf32, #tpu.memory_space<hbm>>) target(%arg24 : memref<64x128xf32, #tpu.memory_space<vmem>>) offsets(%arg9 : memref<64xi32, #tpu.memory_space<vmem>>) semaphore(%arg32 : memref<!tpu.dma_semaphore, #tpu.memory_space<semaphore_mem>>)
      } else {
      }
      %mul3A_306 = arith.constant 32 : i32
      %mul3A_307 = arith.muli %add3A_266, %mul3A_306 : i32
      %add3A_308 = arith.addi %mul3A_307, %add3A : i32
      %ge3A_309 = arith.constant 0 : i32
      %ge3A_310 = arith.cmpi sge, %add3A_308, %ge3A_309 : i32
      %lt3A_311 = arith.constant 5000 : i32
      %lt3A_312 = arith.cmpi slt, %add3A_308, %lt3A_311 : i32
      %and3A_313 = arith.andi %ge3A_310, %lt3A_312 : i1
      %convert_element_type3A_314 = arith.extui %and3A_313 : i1 to i32
      %cond3A_315 = arith.constant 0 : i32
      %cond3A_316 = arith.cmpi ne, %convert_element_type3A_314, %cond3A_315 : i32
      scf.if %cond3A_316 {
        %dma_wait3A = arith.constant 0 : i32
        %dma_wait3A_352 = arith.constant 0 : i32
        %dma_wait3A_353 = tpu.memref_slice %arg3[%dma_wait3A, %dma_wait3A_352] : memref<10000x16xf32, #tpu.memory_space<hbm>> -> memref<10000x16xf32, #tpu.memory_space<hbm>>
        tpu.wait_indirect_dma semaphore(%arg34 : memref<!tpu.dma_semaphore, #tpu.memory_space<semaphore_mem>>) src(%dma_wait3A_353 : memref<10000x16xf32, #tpu.memory_space<hbm>>) dst(%arg20 : memref<64x16xf32, #tpu.memory_space<vmem>>)
        %dma_wait3A_354 = arith.constant 0 : i32
        %dma_wait3A_355 = arith.constant 0 : i32
        %dma_wait3A_356 = tpu.memref_slice %arg4[%dma_wait3A_354, %dma_wait3A_355] : memref<10000x16xf32, #tpu.memory_space<hbm>> -> memref<10000x16xf32, #tpu.memory_space<hbm>>
        tpu.wait_indirect_dma semaphore(%arg34 : memref<!tpu.dma_semaphore, #tpu.memory_space<semaphore_mem>>) src(%dma_wait3A_356 : memref<10000x16xf32, #tpu.memory_space<hbm>>) dst(%arg23 : memref<64x16xf32, #tpu.memory_space<vmem>>)
        %dma_wait3A_357 = arith.constant 0 : i32
        %dma_wait3A_358 = arith.constant 0 : i32
        %dma_wait3A_359 = tpu.memref_slice %arg2[%dma_wait3A_357, %dma_wait3A_358] : memref<10000x128xf32, #tpu.memory_space<hbm>> -> memref<10000x128xf32, #tpu.memory_space<hbm>>
        tpu.wait_indirect_dma semaphore(%arg34 : memref<!tpu.dma_semaphore, #tpu.memory_space<semaphore_mem>>) src(%dma_wait3A_359 : memref<10000x128xf32, #tpu.memory_space<hbm>>) dst(%arg26 : memref<64x128xf32, #tpu.memory_space<vmem>>)
      } else {
      }
      %mul3A_317 = arith.constant 32 : i32
      %mul3A_318 = arith.muli %add3A_266, %mul3A_317 : i32
      %add3A_319 = arith.addi %mul3A_318, %add3A : i32
      %ge3A_320 = arith.constant 0 : i32
      %ge3A_321 = arith.cmpi sge, %add3A_319, %ge3A_320 : i32
      %lt3A_322 = arith.constant 5000 : i32
      %lt3A_323 = arith.cmpi slt, %add3A_319, %lt3A_322 : i32
      %and3A_324 = arith.andi %ge3A_321, %lt3A_323 : i1
      %convert_element_type3A_325 = arith.extui %and3A_324 : i1 to i32
      %cond3A_326 = arith.constant 0 : i32
      %cond3A_327 = arith.cmpi ne, %convert_element_type3A_325, %cond3A_326 : i32
      scf.if %cond3A_327 {
        %get3A = arith.constant 0 : index
        %get3A_352 = tpu.vector_load %arg14[%get3A] {strides = array<i32>} : memref<64xi32, #tpu.memory_space<vmem>>, vector<16xi32>,
        %get3A_353 = vector.shape_cast %get3A_352 : vector<16xi32> to vector<16xi32>
        %swap3A = arith.constant 0 : index
        %swap3A_354 = tpu.vector_load %arg17[%swap3A] {strides = array<i32>} : memref<64xi32, #tpu.memory_space<vmem>>, vector<16xi32>,
        %swap3A_355 = vector.shape_cast %swap3A_354 : vector<16xi32> to vector<16xi32>
        %swap3A_356 = vector.shape_cast %get3A_353 : vector<16xi32> to vector<16xi32>
        tpu.vector_store %arg17[%swap3A], %swap3A_356 {strides = array<i32>} : memref<64xi32, #tpu.memory_space<vmem>>, vector<16xi32>,
        %get3A_357 = arith.constant 16 : index
        %get3A_358 = tpu.vector_load %arg14[%get3A_357] {strides = array<i32>} : memref<64xi32, #tpu.memory_space<vmem>>, vector<16xi32>,
        %get3A_359 = vector.shape_cast %get3A_358 : vector<16xi32> to vector<16xi32>
        %swap3A_360 = arith.constant 16 : index
        %swap3A_361 = tpu.vector_load %arg17[%swap3A_360] {strides = array<i32>} : memref<64xi32, #tpu.memory_space<vmem>>, vector<16xi32>,
        %swap3A_362 = vector.shape_cast %swap3A_361 : vector<16xi32> to vector<16xi32>
        %swap3A_363 = vector.shape_cast %get3A_359 : vector<16xi32> to vector<16xi32>
        tpu.vector_store %arg17[%swap3A_360], %swap3A_363 {strides = array<i32>} : memref<64xi32, #tpu.memory_space<vmem>>, vector<16xi32>,
        %get3A_364 = arith.constant 32 : index
        %get3A_365 = tpu.vector_load %arg14[%get3A_364] {strides = array<i32>} : memref<64xi32, #tpu.memory_space<vmem>>, vector<16xi32>,
        %get3A_366 = vector.shape_cast %get3A_365 : vector<16xi32> to vector<16xi32>
        %swap3A_367 = arith.constant 32 : index
        %swap3A_368 = tpu.vector_load %arg17[%swap3A_367] {strides = array<i32>} : memref<64xi32, #tpu.memory_space<vmem>>, vector<16xi32>,
        %swap3A_369 = vector.shape_cast %swap3A_368 : vector<16xi32> to vector<16xi32>
        %swap3A_370 = vector.shape_cast %get3A_366 : vector<16xi32> to vector<16xi32>
        tpu.vector_store %arg17[%swap3A_367], %swap3A_370 {strides = array<i32>} : memref<64xi32, #tpu.memory_space<vmem>>, vector<16xi32>,
        %get3A_371 = arith.constant 48 : index
        %get3A_372 = tpu.vector_load %arg14[%get3A_371] {strides = array<i32>} : memref<64xi32, #tpu.memory_space<vmem>>, vector<16xi32>,
        %get3A_373 = vector.shape_cast %get3A_372 : vector<16xi32> to vector<16xi32>
        %swap3A_374 = arith.constant 48 : index
        %swap3A_375 = tpu.vector_load %arg17[%swap3A_374] {strides = array<i32>} : memref<64xi32, #tpu.memory_space<vmem>>, vector<16xi32>,
        %swap3A_376 = vector.shape_cast %swap3A_375 : vector<16xi32> to vector<16xi32>
        %swap3A_377 = vector.shape_cast %get3A_373 : vector<16xi32> to vector<16xi32>
        tpu.vector_store %arg17[%swap3A_374], %swap3A_377 {strides = array<i32>} : memref<64xi32, #tpu.memory_space<vmem>>, vector<16xi32>,
      } else {
      }
      %add3A_328 = arith.constant 2 : i32
      %add3A_329 = arith.addi %add3A_266, %add3A_328 : i32
      %mul3A_330 = arith.constant 32 : i32
      %mul3A_331 = arith.muli %add3A_329, %mul3A_330 : i32
      %add3A_332 = arith.addi %mul3A_331, %add3A : i32
      %ge3A_333 = arith.constant 0 : i32
      %ge3A_334 = arith.cmpi sge, %add3A_332, %ge3A_333 : i32
      %lt3A_335 = arith.constant 5000 : i32
      %lt3A_336 = arith.cmpi slt, %add3A_332, %lt3A_335 : i32
      %and3A_337 = arith.andi %ge3A_334, %lt3A_336 : i1
      %convert_element_type3A_338 = arith.extui %and3A_337 : i1 to i32
      %cond3A_339 = arith.constant 0 : i32
      %cond3A_340 = arith.cmpi ne, %convert_element_type3A_338, %cond3A_339 : i32
      scf.if %cond3A_340 {
        %mul3A_352 = arith.constant 32 : i32
        %mul3A_353 = arith.muli %add3A_329, %mul3A_352 : i32
        %add3A_354 = arith.addi %mul3A_353, %add3A : i32
        %mul3A_355 = arith.constant 64 : i32
        %mul3A_356 = arith.muli %add3A_354, %mul3A_355 : i32
        %dma_start3A = tpu.memref_slice %arg5[%mul3A_356] : memref<320000xi32, #tpu.memory_space<hbm>> -> memref<64xi32, #tpu.memory_space<hbm>>
        %dma_start3A_357 = tpu.memref_slice %arg5[%mul3A_356] : memref<320000xi32, #tpu.memory_space<hbm>> -> memref<64xi32, #tpu.memory_space<hbm>>
        tpu.enqueue_dma source(%dma_start3A_357 : memref<64xi32, #tpu.memory_space<hbm>>) target(%arg10 : memref<64xi32, #tpu.memory_space<vmem>>) target_semaphore(%arg30 : memref<!tpu.dma_semaphore, #tpu.memory_space<semaphore_mem>>)
        %dma_start3A_358 = tpu.memref_slice %arg6[%mul3A_356] : memref<320000xi32, #tpu.memory_space<hbm>> -> memref<64xi32, #tpu.memory_space<hbm>>
        %dma_start3A_359 = tpu.memref_slice %arg6[%mul3A_356] : memref<320000xi32, #tpu.memory_space<hbm>> -> memref<64xi32, #tpu.memory_space<hbm>>
        tpu.enqueue_dma source(%dma_start3A_359 : memref<64xi32, #tpu.memory_space<hbm>>) target(%arg13 : memref<64xi32, #tpu.memory_space<vmem>>) target_semaphore(%arg30 : memref<!tpu.dma_semaphore, #tpu.memory_space<semaphore_mem>>)
      } else {
      }
      %mul3A_341 = arith.constant 32 : i32
      %mul3A_342 = arith.muli %add3A_266, %mul3A_341 : i32
      %add3A_343 = arith.addi %mul3A_342, %add3A : i32
      %ge3A_344 = arith.constant 0 : i32
      %ge3A_345 = arith.cmpi sge, %add3A_343, %ge3A_344 : i32
      %lt3A_346 = arith.constant 5000 : i32
      %lt3A_347 = arith.cmpi slt, %add3A_343, %lt3A_346 : i32
      %and3A_348 = arith.andi %ge3A_345, %lt3A_347 : i1
      %convert_element_type3A_349 = arith.extui %and3A_348 : i1 to i32
      %cond3A_350 = arith.constant 0 : i32
      %cond3A_351 = arith.cmpi ne, %convert_element_type3A_349, %cond3A_350 : i32
      scf.if %cond3A_351 {
        %dma_start3A = arith.constant 0 : i32
        %dma_start3A_352 = arith.constant 0 : i32
        %dma_start3A_353 = tpu.memref_slice %arg27[%dma_start3A, %dma_start3A_352] : memref<10240x128xf32, #tpu.memory_space<vmem_shared>> -> memref<10240x128xf32, #tpu.memory_space<vmem_shared>>
        tpu.enqueue_indirect_dma source(%arg26 : memref<64x128xf32, #tpu.memory_space<vmem>>) target(%dma_start3A_353 : memref<10240x128xf32, #tpu.memory_space<vmem_shared>>) offsets(%arg17 : memref<64xi32, #tpu.memory_space<vmem>>) semaphore(%arg37 : memref<!tpu.dma_semaphore, #tpu.memory_space<semaphore_mem>>) {add = true}
        %dma_start3A_354 = arith.constant 0 : i32
        %dma_start3A_355 = arith.constant 0 : i32
        %dma_start3A_356 = tpu.memref_slice %arg28[%dma_start3A_354, %dma_start3A_355] : memref<10240x16xf32, #tpu.memory_space<vmem_shared>> -> memref<10240x16xf32, #tpu.memory_space<vmem_shared>>
        tpu.enqueue_indirect_dma source(%arg20 : memref<64x16xf32, #tpu.memory_space<vmem>>) target(%dma_start3A_356 : memref<10240x16xf32, #tpu.memory_space<vmem_shared>>) offsets(%arg17 : memref<64xi32, #tpu.memory_space<vmem>>) semaphore(%arg37 : memref<!tpu.dma_semaphore, #tpu.memory_space<semaphore_mem>>) {add = true}
      } else {
      }
    }
    %scan3A_89 = arith.constant 53 : i32
    %barrier3A_90 = arith.constant 0 : index
    tpu.barrier barrier_id(%barrier3A_90)
    "tpu.region"() ({
      %run_scoped3A = tpu.sem_alloc : memref<!tpu.dma_semaphore, #tpu.memory_space<semaphore_mem>>
      %dma_start3A = arith.constant 0 : i32
      %dma_start3A_91 = tpu.memref_slice %arg7[%arg0, %mul3A_8, %dma_start3A] : memref<2x10240x128xf32, #tpu.memory_space<hbm>> -> memref<1x640x128xf32, #tpu.memory_space<hbm>>
      %dma_start3A_92 = tpu.memref_squeeze %dma_start3A_91 : memref<1x640x128xf32, #tpu.memory_space<hbm>> -> memref<640x128xf32, #tpu.memory_space<hbm>>
      %dma_start3A_93 = arith.constant 0 : i32
      %dma_start3A_94 = tpu.memref_slice %arg27[%mul3A_8, %dma_start3A_93] : memref<10240x128xf32, #tpu.memory_space<vmem_shared>> -> memref<640x128xf32, #tpu.memory_space<vmem_shared>>
      tpu.enqueue_dma source(%dma_start3A_94 : memref<640x128xf32, #tpu.memory_space<vmem_shared>>) target(%dma_start3A_92 : memref<640x128xf32, #tpu.memory_space<hbm>>) target_semaphore(%run_scoped3A : memref<!tpu.dma_semaphore, #tpu.memory_space<semaphore_mem>>)
      %dma_wait3A = arith.constant 0 : i32
      %dma_wait3A_95 = tpu.memref_slice %arg7[%arg0, %mul3A_8, %dma_wait3A] : memref<2x10240x128xf32, #tpu.memory_space<hbm>> -> memref<1x640x128xf32, #tpu.memory_space<hbm>>
      %dma_wait3A_96 = tpu.memref_squeeze %dma_wait3A_95 : memref<1x640x128xf32, #tpu.memory_space<hbm>> -> memref<640x128xf32, #tpu.memory_space<hbm>>
      %dma_wait3A_97 = arith.constant 0 : i32
      %dma_wait3A_98 = tpu.memref_slice %arg27[%mul3A_8, %dma_wait3A_97] : memref<10240x128xf32, #tpu.memory_space<vmem_shared>> -> memref<640x128xf32, #tpu.memory_space<vmem_shared>>
      tpu.wait_dma2 semaphore(%run_scoped3A : memref<!tpu.dma_semaphore, #tpu.memory_space<semaphore_mem>>) src(%dma_wait3A_98 : memref<640x128xf32, #tpu.memory_space<vmem_shared>>) dst(%dma_wait3A_96 : memref<640x128xf32, #tpu.memory_space<hbm>>)
      tpu.yield
    }) : () -> ()
    "tpu.region"() ({
      %run_scoped3A = tpu.sem_alloc : memref<!tpu.dma_semaphore, #tpu.memory_space<semaphore_mem>>
      %dma_start3A = arith.constant 0 : i32
      %dma_start3A_91 = tpu.memref_slice %arg8[%arg0, %mul3A_8, %dma_start3A] : memref<2x10240x16xf32, #tpu.memory_space<hbm>> -> memref<1x640x16xf32, #tpu.memory_space<hbm>>
      %dma_start3A_92 = tpu.memref_squeeze %dma_start3A_91 : memref<1x640x16xf32, #tpu.memory_space<hbm>> -> memref<640x16xf32, #tpu.memory_space<hbm>>
      %dma_start3A_93 = arith.constant 0 : i32
      %dma_start3A_94 = tpu.memref_slice %arg28[%mul3A_8, %dma_start3A_93] : memref<10240x16xf32, #tpu.memory_space<vmem_shared>> -> memref<640x16xf32, #tpu.memory_space<vmem_shared>>
      tpu.enqueue_dma source(%dma_start3A_94 : memref<640x16xf32, #tpu.memory_space<vmem_shared>>) target(%dma_start3A_92 : memref<640x16xf32, #tpu.memory_space<hbm>>) target_semaphore(%run_scoped3A : memref<!tpu.dma_semaphore, #tpu.memory_space<semaphore_mem>>)
      %dma_wait3A = arith.constant 0 : i32
      %dma_wait3A_95 = tpu.memref_slice %arg8[%arg0, %mul3A_8, %dma_wait3A] : memref<2x10240x16xf32, #tpu.memory_space<hbm>> -> memref<1x640x16xf32, #tpu.memory_space<hbm>>
      %dma_wait3A_96 = tpu.memref_squeeze %dma_wait3A_95 : memref<1x640x16xf32, #tpu.memory_space<hbm>> -> memref<640x16xf32, #tpu.memory_space<hbm>>
      %dma_wait3A_97 = arith.constant 0 : i32
      %dma_wait3A_98 = tpu.memref_slice %arg28[%mul3A_8, %dma_wait3A_97] : memref<10240x16xf32, #tpu.memory_space<vmem_shared>> -> memref<640x16xf32, #tpu.memory_space<vmem_shared>>
      tpu.wait_dma2 semaphore(%run_scoped3A : memref<!tpu.dma_semaphore, #tpu.memory_space<semaphore_mem>>) src(%dma_wait3A_98 : memref<640x16xf32, #tpu.memory_space<vmem_shared>>) dst(%dma_wait3A_96 : memref<640x16xf32, #tpu.memory_space<hbm>>)
      tpu.yield
    }) : () -> ()
    return
  }
}

module attributes {stable_mosaic.version = 14 : i64} {
  func.func @_scores_body(%arg0: i32, %arg1: memref<400x128xf32, #tpu.memory_space<vmem>>, %arg2: memref<128x16xf32, #tpu.memory_space<vmem>>, %arg3: memref<1x8xf32, #tpu.memory_space<vmem>>, %arg4: memref<400x16xf32, #tpu.memory_space<vmem>>, %arg5: memref<400x16xf32, #tpu.memory_space<vmem>>) attributes {dimension_semantics = [#tpu.dimension_semantics<arbitrary>], iteration_bounds = array<i64: 25>, scalar_prefetch = 0 : i64, scratch_operands = 0 : i64, tpu.core_type = #tpu.core_type<tc>, window_params = [{transform_indices = @transform_0, window_bounds = array<i64: 400, 128>}, {pipeline_mode = #tpu.pipeline_mode<synchronous>, transform_indices = @transform_1, window_bounds = array<i64: 128, 16>}, {pipeline_mode = #tpu.pipeline_mode<synchronous>, transform_indices = @transform_2, window_bounds = array<i64: 1, 8>}, {transform_indices = @transform_3, window_bounds = array<i64: 400, 16>}, {transform_indices = @transform_4, window_bounds = array<i64: 400, 16>}]} {
    %get3A = arith.constant 0 : index
    %get3A_0 = arith.constant 0 : index
    %get3A_1 = vector.load %arg1[%get3A, %get3A_0] : memref<400x128xf32, #tpu.memory_space<vmem>>, vector<400x128xf32>
    %get3A_2 = arith.constant 0 : index
    %get3A_3 = arith.constant 0 : index
    %get3A_4 = vector.load %arg2[%get3A_2, %get3A_3] : memref<128x16xf32, #tpu.memory_space<vmem>>, vector<128x16xf32>
    %dot_general3A = arith.constant dense<0.000000e+00> : vector<400x16xf32>
    %dot_general3A_5 = tpu.matmul %get3A_1, %get3A_4, %dot_general3A {dimension_numbers = #tpu.dot_dimension_numbers<[1], [0], [0], [1], [0, 0, 1, 1], [], []>, transpose_lhs_hint = false} : vector<400x128xf32>, vector<128x16xf32>, vector<400x16xf32> -> vector<400x16xf32>
    %slice3A = vector.extract_strided_slice %dot_general3A_5 {offsets = [0, 0], sizes = [400, 8], strides = [1, 1]} : vector<400x16xf32> to vector<400x8xf32>
    %get3A_6 = arith.constant 0 : index
    %get3A_7 = arith.constant 0 : index
    %get3A_8 = vector.load %arg3[%get3A_6, %get3A_7] : memref<1x8xf32, #tpu.memory_space<vmem>>, vector<1x8xf32>
    %add3A = vector.broadcast %get3A_8 : vector<1x8xf32> to vector<400x8xf32>
    %add3A_9 = arith.addf %slice3A, %add3A : vector<400x8xf32>
    %slice3A_10 = vector.extract_strided_slice %dot_general3A_5 {offsets = [0, 8], sizes = [400, 8], strides = [1, 1]} : vector<400x16xf32> to vector<400x8xf32>
    %concatenate3A = tpu.concatenate %add3A_9, %add3A_9 in 1 : vector<400x8xf32>, vector<400x8xf32> -> vector<400x16xf32>
    %swap3A = arith.constant 0 : index
    %swap3A_11 = arith.constant 0 : index
    %swap3A_12 = vector.load %arg4[%swap3A, %swap3A_11] : memref<400x16xf32, #tpu.memory_space<vmem>>, vector<400x16xf32>
    tpu.vector_store %arg4[%swap3A, %swap3A_11], %concatenate3A {strides = array<i32>} : memref<400x16xf32, #tpu.memory_space<vmem>>, vector<400x16xf32>,
    %concatenate3A_13 = tpu.concatenate %slice3A_10, %slice3A_10 in 1 : vector<400x8xf32>, vector<400x8xf32> -> vector<400x16xf32>
    %swap3A_14 = arith.constant 0 : index
    %swap3A_15 = arith.constant 0 : index
    %swap3A_16 = vector.load %arg5[%swap3A_14, %swap3A_15] : memref<400x16xf32, #tpu.memory_space<vmem>>, vector<400x16xf32>
    tpu.vector_store %arg5[%swap3A_14, %swap3A_15], %concatenate3A_13 {strides = array<i32>} : memref<400x16xf32, #tpu.memory_space<vmem>>, vector<400x16xf32>,
    return
  }
  func.func @transform_0(%arg0: i32) -> (i32, i32) {
    %c0_i32 = arith.constant 0 : i32
    %c0_i32_0 = arith.constant 0 : i32
    return %arg0, %c0_i32 : i32, i32
  }
  func.func @transform_1(%arg0: i32) -> (i32, i32) {
    %c0_i32 = arith.constant 0 : i32
    %c0_i32_0 = arith.constant 0 : i32
    %c0_i32_1 = arith.constant 0 : i32
    return %c0_i32, %c0_i32_0 : i32, i32
  }
  func.func @transform_2(%arg0: i32) -> (i32, i32) {
    %c0_i32 = arith.constant 0 : i32
    %c0_i32_0 = arith.constant 0 : i32
    %c0_i32_1 = arith.constant 0 : i32
    return %c0_i32, %c0_i32_0 : i32, i32
  }
  func.func @transform_3(%arg0: i32) -> (i32, i32) {
    %c0_i32 = arith.constant 0 : i32
    %c0_i32_0 = arith.constant 0 : i32
    return %arg0, %c0_i32 : i32, i32
  }
  func.func @transform_4(%arg0: i32) -> (i32, i32) {
    %c0_i32 = arith.constant 0 : i32
    %c0_i32_0 = arith.constant 0 : i32
    return %arg0, %c0_i32 : i32, i32
  }
}

module attributes {stable_mosaic.version = 14 : i64} {
  func.func @_combine_body(%arg0: i32, %arg1: memref<2x400x128xf32, #tpu.memory_space<vmem>>, %arg2: memref<2x400x16xf32, #tpu.memory_space<vmem>>, %arg3: memref<400x128xf32, #tpu.memory_space<vmem>>) attributes {dimension_semantics = [#tpu.dimension_semantics<arbitrary>], iteration_bounds = array<i64: 25>, scalar_prefetch = 0 : i64, scratch_operands = 0 : i64, tpu.core_type = #tpu.core_type<tc>, window_params = [{transform_indices = @transform_0, window_bounds = array<i64: 2, 400, 128>}, {transform_indices = @transform_1, window_bounds = array<i64: 2, 400, 16>}, {transform_indices = @transform_2, window_bounds = array<i64: 400, 128>}]} {
    %get3A = arith.constant 0 : index
    %get3A_0 = arith.constant 0 : index
    %get3A_1 = arith.constant 0 : index
    %get3A_2 = vector.load %arg1[%get3A, %get3A_0, %get3A_1] : memref<2x400x128xf32, #tpu.memory_space<vmem>>, vector<1x400x128xf32>
    %get3A_3 = vector.shape_cast %get3A_2 : vector<1x400x128xf32> to vector<400x128xf32>
    %get3A_4 = arith.constant 1 : index
    %get3A_5 = arith.constant 0 : index
    %get3A_6 = arith.constant 0 : index
    %get3A_7 = vector.load %arg1[%get3A_4, %get3A_5, %get3A_6] : memref<2x400x128xf32, #tpu.memory_space<vmem>>, vector<1x400x128xf32>
    %get3A_8 = vector.shape_cast %get3A_7 : vector<1x400x128xf32> to vector<400x128xf32>
    %add3A = arith.addf %get3A_3, %get3A_8 : vector<400x128xf32>
    %get3A_9 = arith.constant 0 : index
    %get3A_10 = arith.constant 0 : index
    %get3A_11 = arith.constant 0 : index
    %get3A_12 = vector.load %arg2[%get3A_9, %get3A_10, %get3A_11] : memref<2x400x16xf32, #tpu.memory_space<vmem>>, vector<1x400x16xf32>
    %get3A_13 = vector.shape_cast %get3A_12 : vector<1x400x16xf32> to vector<400x16xf32>
    %get3A_14 = arith.constant 1 : index
    %get3A_15 = arith.constant 0 : index
    %get3A_16 = arith.constant 0 : index
    %get3A_17 = vector.load %arg2[%get3A_14, %get3A_15, %get3A_16] : memref<2x400x16xf32, #tpu.memory_space<vmem>>, vector<1x400x16xf32>
    %get3A_18 = vector.shape_cast %get3A_17 : vector<1x400x16xf32> to vector<400x16xf32>
    %add3A_19 = arith.addf %get3A_13, %get3A_18 : vector<400x16xf32>
    %tile3A = tpu.concatenate %add3A_19, %add3A_19, %add3A_19, %add3A_19, %add3A_19, %add3A_19, %add3A_19, %add3A_19 in 1 : vector<400x16xf32>, vector<400x16xf32>, vector<400x16xf32>, vector<400x16xf32>, vector<400x16xf32>, vector<400x16xf32>, vector<400x16xf32>, vector<400x16xf32> -> vector<400x128xf32>
    %gt3A = arith.constant 0.000000e+00 : f32
    %gt3A_20 = vector.broadcast %gt3A : f32 to vector<400x128xf32>
    %gt3A_21 = arith.cmpf ogt, %tile3A, %gt3A_20 : vector<400x128xf32>
    %div3A = arith.divf %add3A, %tile3A : vector<400x128xf32>
    %jit3A = arith.constant 0.000000e+00 : f32
    %broadcast_in_dim3A = vector.broadcast %jit3A : f32 to vector<400x128xf32>
    %select_n3A = arith.select %gt3A_21, %div3A, %broadcast_in_dim3A : vector<400x128xi1>, vector<400x128xf32>
    %swap3A = arith.constant 0 : index
    %swap3A_22 = arith.constant 0 : index
    %swap3A_23 = vector.load %arg3[%swap3A, %swap3A_22] : memref<400x128xf32, #tpu.memory_space<vmem>>, vector<400x128xf32>
    tpu.vector_store %arg3[%swap3A, %swap3A_22], %select_n3A {strides = array<i32>} : memref<400x128xf32, #tpu.memory_space<vmem>>, vector<400x128xf32>,
    return
  }
  func.func @transform_0(%arg0: i32) -> (i32, i32, i32) {
    %c0_i32 = arith.constant 0 : i32
    %c0_i32_0 = arith.constant 0 : i32
    %c0_i32_1 = arith.constant 0 : i32
    return %c0_i32, %arg0, %c0_i32_0 : i32, i32, i32
  }
  func.func @transform_1(%arg0: i32) -> (i32, i32, i32) {
    %c0_i32 = arith.constant 0 : i32
    %c0_i32_0 = arith.constant 0 : i32
    %c0_i32_1 = arith.constant 0 : i32
    return %c0_i32, %arg0, %c0_i32_0 : i32, i32, i32
  }
  func.func @transform_2(%arg0: i32) -> (i32, i32) {
    %c0_i32 = arith.constant 0 : i32
    %c0_i32_0 = arith.constant 0 : i32
    return %arg0, %c0_i32 : i32, i32
  }
}

</mosaic_0001>

<sc_bundles>
// kernel: kernel.5.cloned.1.call-start
scs
__scs_entry_jumppad:
0x0: {  	(pc) =	sbr.rel $0x88, $3  }
0x1: {  	(tag) =	ssettag $0x0;
	lr =	simm.s32 $0x1  }
0x2: {  	[smem:$0x3F9C] =	sst lr;
	_ =	strace $0xD0000000  }
0x3: {  	_ = 	snop  }
0x4: {  	_ = 	snop  }
0x5: {  	_ = 	snop  }
0x6: {  	_ = 	snop  }
0x7: {  	_ = 	snop  }
__scs_overlays_trampoline_lowered:
0x8: {  	[smem:$0x3FAB] =	sst s0  }
0x9: {  	[smem:$0x3FAC] =	sst s1  }
0xa: {  	[smem:$0x3FAD] =	sst s2  }
0xb: {  	[smem:$0x3FAE] =	sst s3  }
0xc: {  	[smem:$0x3FAF] =	sst s4  }
0xd: {  	[smem:$0x3FB0] =	sst s5  }
0xe: {  	[smem:$0x3FB1] =	sst s6  }
0xf: {  	[smem:$0x3FB2] =	sst s7  }
0x10: {  	[smem:$0x3FB3] =	sst s8  }
0x11: {  	[smem:$0x3FB4] =	sst s9;
	s0 =	simm.s32 @!p0 $0x0  }
0x12: {  	s1 =	sld [smem:$0x3F9A];
	s0 =	simm.s32 @p0 $0x1  }
0x13: {  	[smem:$0x3FB5] =	sst s0;
	s0 =	simm.s32 @!p1 $0x0  }
0x14: {  	s2 =	sld [smem:$0x3F99];
	s0 =	simm.s32 @p1 $0x1  }
0x15: {  	[smem:$0x3FB6] =	sst s0;
	s0 =	simm.s32 @!p2 $0x0  }
0x16: {  	s3 =	sld [smem:$0x3FDB];
	s0 =	simm.s32 @p2 $0x1  }
0x17: {  	s4 =	simm.s32 $0x1BF5;
	[smem:$0x3FB8] =	sst s0  }
0x18: {  	s0 =	sld [smem:$0x3F9B];
	_ =	swait.ge [sflag:s4], $0x0  }
0x19: {  	s7 =	sld [smem:$0x3F9C]  }
0x1a: {  	s8 =	sadd.s32 $0xFFFFE003, lr  }
0x1b: {  	s9 =	sadd.s32 $0xFFFFFEF7, lr;
	s5 =	simm.s32 $0xFFFFFFFF;
	p2 =	slt.u32 s8, $0xFFFFF086  }
0x1c: {  	p1 =	slt.u32 s9, $0xF7A;
	s5 =	simm.s32 @!p2 $0x0  }
0x1d: {  	s5 =	simm.s32 @p1 $0x1;
	p0 =	seq.s32 s7, s2  }
0x1e: {  	s7 =	smul.u32 @!p0 $0xF7A, s2;
	p2 =	seq.s32 @!p0 s5, $0x0  }
0x1f: {  	s9 =	smul.u32 $0xF7A, s1;
	s8 =	simm.s32 @!p0 $0x1BF5;
	p2 =	por !p2, p0  }
0x20: {  	[sflag:s8] =	ssyncset.s32 @!p0 $0xFFFFF086;
	s6 =	sadd.s32 @!p0 s3, s7;
	s7 =	simm.s32 @!p0 $0x108  }
0x21: {  	s3 =	sadd.s32 s3, s9;
	s6 =	sadd.s32 @!p0 $0x88, s6;
	s7 =	simm.s32 @p2 $0x1082  }
0x22: {  	[simem:s7], [sflag:s8] =	dma.local @!p0 [hbm:s6], $0xF7A  }
0x23: {  	s9 =	sor.u32 $0xD0000000, s2;
	s6 =	simm.s32 $0x108;
	_ =	swait.ge @!p0 [sflag:s8], $0x0  }
0x24: {  	s3 =	sadd.s32 $0x88, s3;
	s6 =	simm.s32 @!p1 $0x1082;
	[sflag:s4] =	ssyncset.s32 $0xFFFFF086  }
0x25: {  	[simem:s6], [sflag:s4] =	dma.local [hbm:s3], $0xF7A  }
0x26: {  	[smem:$0x3F9C] =	sst s1;
	(tag) =	ssettag s2;
	_ =	strace s9  }
0x27: {  	s1 =	sld [smem:$0x3FAC]  }
0x28: {  	s2 =	sld [smem:$0x3FAD]  }
0x29: {  	s4 =	sld [smem:$0x3FAF]  }
0x2a: {  	p0 =	seq.s32 s5, $0x0;
	s5 =	sld [smem:$0x3FB0]  }
0x2b: {  	s6 =	sld [smem:$0x3FB1]  }
0x2c: {  	s7 =	sld [smem:$0x3FB2]  }
0x2d: {  	s3 =	simm.s32 $0x108;
	s8 =	sld [smem:$0x3FB3]  }
0x2e: {  	s3 =	simm.s32 @!p0 $0x1082;
	s9 =	sld [smem:$0x3FB4]  }
0x2f: {  	lr =	sadd.s32 s0, s3;
	s0 =	sld [smem:$0x3FAB]  }
0x30: {  	s3 =	sld [smem:$0x3FAE]  }
0x31: {  	[smem:$0x3FB7] =	sst s10  }
0x32: {  	s10 =	sld [smem:$0x3FB5];
	_ =	sdelay $0x3  }
0x33: {  	p0 =	seq.s32 s10, $0x1;
	s10 =	sld [smem:$0x3FB7];
	_ =	sdelay $0x3  }
0x34: {  	[smem:$0x3FB7] =	sst s10  }
0x35: {  	s10 =	sld [smem:$0x3FB6];
	_ =	sdelay $0x3  }
0x36: {  	p1 =	seq.s32 s10, $0x1;
	s10 =	sld [smem:$0x3FB7];
	_ =	sdelay $0x3  }
0x37: {  	[smem:$0x3FB7] =	sst s10  }
0x38: {  	s10 =	sld [smem:$0x3FB8]  }
0x39: {  	_ = 	snop;
	(pc) =	sbr.ind lr, $3  }
0x3a: {  	_ = 	snop  }
0x3b: {  	_ = 	snop  }
0x3c: {  	p2 =	seq.s32 s10, $0x1;
	s10 =	sld [smem:$0x3FB7]  }
0x3d: {  	_ =	shalt  }
0x3e: {  	_ =	shalt  }
0x3f: {  	_ =	shalt  }
0x40: {  	_ =	shalt  }
0x41: {  	_ =	shalt  }
0x42: {  	_ =	shalt  }
0x43: {  	_ =	shalt  }
0x44: {  	_ =	shalt  }
0x45: {  	_ =	shalt  }
0x46: {  	_ =	shalt  }
0x47: {  	_ =	shalt  }
0x48: {  	_ =	shalt  }
0x49: {  	_ =	shalt  }
0x4a: {  	_ =	shalt  }
0x4b: {  	_ =	shalt  }
0x4c: {  	_ =	shalt  }
0x4d: {  	_ =	shalt  }
0x4e: {  	_ =	shalt  }
0x4f: {  	_ =	shalt  }
0x50: {  	_ =	shalt  }
0x51: {  	_ =	shalt  }
0x52: {  	_ =	shalt  }
0x53: {  	_ =	shalt  }
0x54: {  	_ =	shalt  }
0x55: {  	_ =	shalt  }
0x56: {  	_ =	shalt  }
0x57: {  	_ =	shalt  }
0x58: {  	_ =	shalt  }
0x59: {  	_ =	shalt  }
0x5a: {  	_ =	shalt  }
0x5b: {  	_ =	shalt  }
0x5c: {  	_ =	shalt  }
0x5d: {  	_ =	shalt  }
0x5e: {  	_ =	shalt  }
0x5f: {  	_ =	shalt  }
0x60: {  	_ =	shalt  }
0x61: {  	_ =	shalt  }
0x62: {  	_ =	shalt  }
0x63: {  	_ =	shalt  }
0x64: {  	_ =	shalt  }
0x65: {  	_ =	shalt  }
0x66: {  	_ =	shalt  }
0x67: {  	_ =	shalt  }
0x68: {  	_ =	shalt  }
0x69: {  	_ =	shalt  }
0x6a: {  	_ =	shalt  }
0x6b: {  	_ =	shalt  }
0x6c: {  	_ =	shalt  }
0x6d: {  	_ =	shalt  }
0x6e: {  	_ =	shalt  }
0x6f: {  	_ =	shalt  }
0x70: {  	_ =	shalt  }
0x71: {  	_ =	shalt  }
0x72: {  	_ =	shalt  }
0x73: {  	_ =	shalt  }
0x74: {  	_ =	shalt  }
0x75: {  	_ =	shalt  }
0x76: {  	_ =	shalt  }
0x77: {  	_ =	shalt  }
0x78: {  	_ =	shalt  }
0x79: {  	_ =	shalt  }
0x7a: {  	_ =	shalt  }
0x7b: {  	_ =	shalt  }
0x7c: {  	_ =	shalt  }
0x7d: {  	_ =	shalt  }
0x7e: {  	_ =	shalt  }
0x7f: {  	_ =	shalt  }
0x80: {  	_ =	shalt  }
0x81: {  	_ =	shalt  }
0x82: {  	_ =	shalt  }
0x83: {  	_ =	shalt  }
0x84: {  	_ =	shalt  }
0x85: {  	_ =	shalt  }
0x86: {  	_ =	shalt  }
0x87: {  	_ =	shalt  }
.Lfunc_end0:
.L_simem_size_0:
called_computation_lowered:
.L_overlay_start_0:
0x88: {  	s2 =	sld [smem:$0x3FD9]  }
0x89: {  	s3 =	sld [smem:$0x3FFE];
	_ =	sdelay $0x1  }
0x8a: {  	s1 =	srdreg.scid  }
0x8b: {  	s0 =	sand.u32 $0x1, s1  }
0x8c: {  	s17 =	sshll.u32 s0, $0xA;
	s2 =	sadd.s32 s3, s2  }
0x8d: {  	s2 =	sadd.s32 s2, s17  }
0x8e: {  	[smem:$0x3FC3] =	sst s2  }
0x8f: {  	_ = 	snop  }
0x90: {  	s2 =	sld [smem:$0x3FC9]  }
0x91: {  	s18 =	sld [smem:$0x3FD0];
	(tm) =	ssettm $0x1  }
0x92: {  	s4 =	sld [smem:$0x3FFB];
	_ =	sdelay $0x3  }
0x93: {  	_ =	strace s4  }
0x94: {  	s4 =	sld [smem:$0x3FFC];
	_ =	sdelay $0x3  }
0x95: {  	_ =	strace s4  }
0x96: {  	s4 =	sld [smem:$0x3FFD];
	_ =	sdelay $0x3  }
0x97: {  	_ =	strace s4  }
0x98: {  	_ =	strace $0x8FFFFFFF  }
0x99: {  	s19 =	sld [smem:$0x3FDB];
	_ =	sdelay $0x1  }
0x9a: {  	s5 =	simm.s32 $_scs_section_size  }
0x9b: {  	s6 =	simm.s32 $_size__tile_overlayer_lowered;
	s7 =	simm.s32 $_tile_overlayer_lowered  }
0x9c: {  	s22 =	simm.s32 $0x1BFF;
	s21 =	sshll.u32 s7, $0x1;
	s4 =	sadd.s32 s5, s19  }
0x9d: {  	s8 =	simm.s32 $0x0;
	s20 =	sshll.u32 s6, $0x1;
	s6 =	sadd.s32 s21, s4  }
0x9e: {  	[timem:s8], [sflag:s22] =	dma.local [hbm:s6], s20  }
0x9f: {  	_ =	swait.ge [sflag:s22], s20  }
0xa0: {  	s5 =	ssub.s32 $0x0, s20;
	[sflag:s22] =	ssyncset.done $0x0  }
0xa1: {  	[sflag:s22] =	ssyncadd.s32 s5;
	_ =	sdelay $0x1  }
0xa2: {  	s23 =	simm.s32 $0x1B8B  }
0xa3: {  	_ =	swait.ge [sflag:s23], $0x1  }
0xa4: {  	[sflag:s23] =	ssyncset.done $0x0  }
0xa5: {  	s25 =	simm.s32 $0x1B8E;
	s24 =	sld [smem:$0x3FFE];
	[sflag:s23] =	ssyncadd.s32 $0xFFFFFFFF  }
0xa6: {  	s26 =	simm.s32 $execute0_lowered;
	[smem:$0x3FD2] =	sst s25  }
0xa7: {  	s6 =	sshll.u32 s26, $0x1;
	_ =	strace $0x80000046;
	[dreg:$0x1] =	wrdreg $0xFFFFFFFF  }
0xa8: {  	s28 =	simm.s32 $_size_execute0_lowered;
	s4 =	sadd.s32 s4, s6;
	[dreg:$0x0] =	wrdreg $0x0  }
0xa9: {  	s6 =	sshll.u32 s28, $0x1;
	[dreg:$0x2] =	wrdreg s4  }
0xaa: {  	[dreg:$0x3] =	wrdreg s6  }
0xab: {  	[dreg:$0x4] =	wrdreg $0xC0  }
0xac: {  	_ =	task [dreg:s8], $0x5FFFF  }
0xad: {  	[dreg:$0x1] =	wrdreg $0xFFFFFFFF  }
0xae: {  	[dreg:$0x0] =	wrdreg $0x60  }
0xaf: {  	[dreg:$0x2] =	wrdreg s2  }
0xb0: {  	[dreg:$0x3] =	wrdreg s24  }
0xb1: {  	[dreg:$0x4] =	wrdreg s18  }
0xb2: {  	[dreg:$0x5] =	wrdreg $0x7A400  }
0xb3: {  	[dreg:$0x6] =	wrdreg $0x1BA400  }
0xb4: {  	[dreg:$0x7] =	wrdreg $0x9  }
0xb5: {  	_ =	task.clear_ibuf [dreg:s8], $0x8FFFF;
	_ =	strace $0x90000046  }
0xb6: {  	s29 =	simm.s32 $0x9;
	_ =	strace $0x80000048  }
0xb7: {  	_ =	swait.ge [sflag:s29], $0x1  }
0xb8: {  	[sflag:s29] =	ssyncadd.s32 $0xFFFFFFFF  }
0xb9: {  	_ =	strace $0x90000048  }
0xba: {  	_ =	sfence  }
0xbb: {  	s30 =	sld [smem:$0x0];
	_ =	sdelay $0x2  }
0xbc: {  	s31 =	sshll.u32 s1, $0xD;
	s1 =	sshrl.u32 s1, $0x2  }
0xbd: {  	s3 =	sand.u32 $0x4000, s31;
	s1 =	sadd.s32 s1, s30  }
0xbe: {  	s0 =	sor.u32 s3, s0;
	s1 =	sshll.u32 s1, $0x11  }
0xbf: {  	s0 =	sor.u32 s1, s0  }
0xc0: {  	s0 =	sadd.s32 $0x8F2B, s0  }
0xc1: {  	[sflag:s0] =	ssyncadd.remote.s32 $0x1  }
0xc2: {  	_ =	sfence.sel $0xFFFF  }
0xc3: {  	[dreg:$0x0] =	wrdreg $0xFFFFFFFF;
	(pc) =	sbr.abs _section_cstart, $3  }
0xc4: {  	[dreg:$0x1] =	wrdreg $0xFFFFFFFF  }
0xc5: {  	_ =	task.clear_ibuf [dreg:s8], $0x2FFFF;
	_ =	strace $0x9FFFFFFF  }
0xc6: {  	(tm) =	ssettm $0x7FFFFFFF  }
0xc7: {  	_ =	shalt  }
tec
execute0_lowered:
.L_overlay_start_1:
0x0: {  	(tag) =	ssettag $0x1  }
0x1: {  	s1 =	rddreg [dreg:$0x0]  }
0x2: {  	s0 =	rddreg [dreg:$0x1]  }
0x3: {  	s11 =	rddreg [dreg:$0x2]  }
0x4: {  	s3 =	rddreg [dreg:$0x3]  }
0x5: {  	s4 =	rddreg [dreg:$0x4]  }
0x6: {  	s2 =	srdreg.scid;
	s20 =	stileid.u32;
	s5 =	simm.s32 $0x0  }
0x7: {  	s12 =	sand.u32 $0x1, s2;
	s9 =	smul.u32 $0x14000, s20;
	[smem:$0x7FF] =	sst s5  }
0x8: {  	s6 =	sadd.s32 $0x14400, s0;
	s7 =	sadd.s32 $0x19400, s0;
	s15 =	smul.u32 $0x280, s20  }
0x9: {  	s13 =	sadd.s32 $0xA600, s0;
	s14 =	sadd.s32 $0x800, s0;
	s17 =	smul.u32 $0x2800, s20  }
0xa: {  	s2 =	smul.u32 $0x140000, s12;
	_ =	strace $0x80000047;
	s8 =	ssub.s32 $0x2, s12  }
0xb: {  	s16 =	sshll.u32 s12, $0x4;
	s24 =	smul.u32 $0x28000, s12;
	s10 =	sshrl.u32 s8, $0x1  }
0xc: {  	s21 =	sor.u32 $0x40, s15;
	s19 =	sadd.s32 $0x80, s15;
	s2 =	sadd.s32 s9, s2  }
0xd: {  	s9 =	sadd.s32 s9, s3;
	s18 =	sshll.u32 s21, $0x7;
	s22 =	sshll.u32 s19, $0x7  }
0xe: {  	s23 =	sshll.u32 s19, $0x4;
	s19 =	sadd.s32 $0x1C0, s15;
	s2 =	sshrl.u32 s2, $0x3  }
0xf: {  	s18 =	sadd.s32 s18, s3;
	[dreg:$0x8] =	wrdreg s9;
	s0 =	sadd.s32 s2, s0  }
0x10: {  	s2 =	ssub.s32 s8, s10;
	s8 =	sor.u32 s20, s16;
	s10 =	sadd.s32 s17, s4  }
0x11: {  	s16 =	sshll.u32 s21, $0x4;
	[dreg:$0xa] =	wrdreg s18;
	s17 =	sadd.s32 s17, s24  }
0x12: {  	s24 =	sshll.u32 s12, $0x7;
	s16 =	sadd.s32 s16, s4;
	[dreg:$0x9] =	wrdreg s10  }
0x13: {  	s25 =	sshll.u32 s8, $0x3;
	s26 =	ssub.s32 $0x1368, s8;
	[dreg:$0xb] =	wrdreg s16  }
0x14: {  	s28 =	ssub.s32 $0x1388, s8;
	s17 =	sshrl.u32 s17, $0x3;
	[dreg:$0x6] =	wrdreg s26  }
0x15: {  	s29 =	sadd.s32 s24, s13;
	s0 =	sadd.s32 $0x1E400, s0;
	[dreg:$0x7] =	wrdreg s28  }
0x16: {  	s30 =	sadd.s32 s24, s14;
	s16 =	sadd.s32 s22, s3;
	[smem:$0x7FC] =	sst s0  }
0x17: {  	s24 =	sadd.s32 $0x240, s15;
	s31 =	sadd.s32 s13, s25;
	[dreg:$0xc] =	wrdreg s16  }
0x18: {  	s21 =	sadd.s32 s14, s25;
	s11 =	sadd.s32 s11, s17;
	[dreg:$0xe] =	wrdreg s31  }
0x19: {  	s28 =	sadd.s32 $0x100, s15;
	s17 =	sadd.s32 $0x180, s15;
	[dreg:$0xf] =	wrdreg s21  }
0x1a: {  	s16 =	sadd.s32 s23, s4;
	[dreg:$0x10] =	wrdreg s11;
	s31 =	sshll.u32 s28, $0x7  }
0x1b: {  	s18 =	sshll.u32 s17, $0x7;
	[dreg:$0xd] =	wrdreg s16;
	s16 =	sor.u32 $0x100, s25  }
0x1c: {  	s25 =	sadd.s32 $0xC0, s15;
	s22 =	sadd.s32 s13, s16;
	s23 =	sadd.s32 s14, s16  }
0x1d: {  	s26 =	sshll.u32 s25, $0x7;
	s11 =	sshll.u32 s25, $0x4;
	[dreg:$0x11] =	wrdreg s22  }
0x1e: {  	s13 =	sadd.s32 $0x140, s15;
	[dreg:$0x12] =	wrdreg s23;
	s12 =	sadd.s32 s26, s3  }
0x1f: {  	s11 =	sadd.s32 s11, s4;
	s14 =	sshll.u32 s13, $0x7;
	[dreg:$0x13] =	wrdreg s12  }
0x20: {  	s26 =	sshll.u32 s24, $0x7;
	[dreg:$0x14] =	wrdreg s11;
	s11 =	sadd.s32 s31, s3  }
0x21: {  	s12 =	sshll.u32 s28, $0x4;
	s28 =	sadd.s32 s26, s3;
	[dreg:$0x15] =	wrdreg s11  }
0x22: {  	s23 =	sadd.s32 $0x200, s15;
	s31 =	smax.u32 s2, $0x1;
	[dreg:$0x1f] =	wrdreg s28  }
0x23: {  	s25 =	sshll.u32 s23, $0x7;
	s11 =	sadd.s32 s12, s4;
	[smem:$0x7FD] =	sst s31  }
0x24: {  	s12 =	sshll.u32 s13, $0x4;
	s13 =	sadd.s32 s25, s3;
	[dreg:$0x16] =	wrdreg s11  }
0x25: {  	s21 =	sshll.u32 s19, $0x7;
	s11 =	sadd.s32 s14, s3;
	[dreg:$0x1d] =	wrdreg s13  }
0x26: {  	s22 =	sshll.u32 s19, $0x4;
	s16 =	sadd.s32 s12, s4;
	[dreg:$0x17] =	wrdreg s11  }
0x27: {  	s12 =	sadd.s32 s18, s3;
	[dreg:$0x18] =	wrdreg s16;
	s11 =	sshll.u32 s17, $0x4  }
0x28: {  	s19 =	simm.s32 $0x240;
	[dreg:$0x19] =	wrdreg s12;
	s11 =	sadd.s32 s11, s4  }
0x29: {  	s18 =	simm.s32 $0xA;
	[dreg:$0x1a] =	wrdreg s11;
	s11 =	sadd.s32 s21, s3  }
0x2a: {  	s12 =	sshll.u32 s23, $0x4;
	[dreg:$0x1b] =	wrdreg s11;
	s11 =	sadd.s32 s22, s4  }
0x2b: {  	s12 =	sadd.s32 s12, s4;
	[dreg:$0x1c] =	wrdreg s11;
	s11 =	sshll.u32 s24, $0x4  }
0x2c: {  	s16 =	sshll.u32 s20, $0x3;
	[dreg:$0x1e] =	wrdreg s12;
	s11 =	sadd.s32 s11, s4  }
0x2d: {  	v0 =	vimm.f32 $0.0e+00;
	s17 =	simm.s32 $0x1A40;
	s23 =	simm.s32 $0x1;
	[smem:$0x7FB] =	sst s11  }
.LBB2_1:
0x2e: {  	s0 =	simm.s32 $0x1A80  }
0x2f: {  	[tilespmem:s0+$0xFFFFFFD0] =	vst v0  }
0x30: {  	[tilespmem:s0+$0xFFFFFFE0] =	vst v0  }
0x31: {  	[tilespmem:s0+$0xFFFFFFF0] =	vst v0  }
0x32: {  	[tilespmem:s0+$0x0] =	vst v0  }
0x33: {  	[tilespmem:s0+$0x10] =	vst v0  }
0x34: {  	[tilespmem:s0+$0x20] =	vst v0  }
0x35: {  	[tilespmem:s0+$0x30] =	vst v0  }
0x36: {  	s11 =	simm.s32 $0x0;
	s2 =	simm.s32 $0x40;
	[tilespmem:s0+$0xFFFFFFC0] =	vst v0  }
.LBB2_2:
0x37: {  	p0 =	sne.s32 s2, $0xFC0;
	[tilespmem:s11+$0x240] =	vst v0;
	s0 =	sadd.s32 $0x80, s0  }
0x38: {  	[tilespmem:s0+$0xFFFFFFD0] =	vst v0  }
0x39: {  	[tilespmem:s0+$0xFFFFFFE0] =	vst v0  }
0x3a: {  	[tilespmem:s0+$0xFFFFFFF0] =	vst v0  }
.Ltmp0:
0x3b: {  	[tilespmem:s0+$0x0] =	vst v0;
	(pc) =	sbr.rel @p0 .LBB2_2-.Ltmp0, $4  }
0x3c: {  	[tilespmem:s0+$0x10] =	vst v0  }
0x3d: {  	[tilespmem:s0+$0x20] =	vst v0  }
0x3e: {  	[tilespmem:s0+$0x30] =	vst v0  }
0x3f: {  	s11 =	sshra.s32 s2, $0x2;
	s2 =	sadd.s32 $0x40, s2;
	[tilespmem:s0+$0xFFFFFFC0] =	vst v0  }
0x40: {  	[tilespmem:s11+$0x240] =	vst v0  }
0x41: {  	[spmem:s9] =	stream.linear.scatter [tilespmem:s17], [sflag:$0xA], $0x2000, $0x38;
	[tilespmem:$0x1E240] =	vst v63  }
0x42: {  	_ =	swait.ge [sflag:s18], $0x2000  }
0x43: {  	[sflag:s18] =	ssyncset.done $0x0  }
0x44: {  	[sflag:s18] =	ssyncadd.s32 $0xFFFFE000  }
0x45: {  	[spmem:s10] =	stream.linear.scatter [tilespmem:s19], [sflag:$0xA], $0x400, $0x38;
	[tilespmem:$0x1E240] =	vst v63  }
0x46: {  	_ =	swait.ge [sflag:s18], $0x400  }
0x47: {  	[sflag:s18] =	ssyncset.done $0x0  }
0x48: {  	s0 =	rddreg [dreg:$0xa];
	[sflag:s18] =	ssyncadd.s32 $0xFFFFFC00  }
0x49: {  	[spmem:s0] =	stream.linear.scatter [tilespmem:s17], [sflag:$0xA], $0x2000, $0x38;
	[tilespmem:$0x1E240] =	vst v63  }
0x4a: {  	_ =	swait.ge [sflag:s18], $0x2000  }
0x4b: {  	[sflag:s18] =	ssyncset.done $0x0  }
0x4c: {  	s10 =	rddreg [dreg:$0xb];
	[sflag:s18] =	ssyncadd.s32 $0xFFFFE000  }
0x4d: {  	[spmem:s10] =	stream.linear.scatter [tilespmem:s19], [sflag:$0xA], $0x400, $0x38;
	[tilespmem:$0x1E240] =	vst v63  }
0x4e: {  	_ =	swait.ge [sflag:s18], $0x400  }
0x4f: {  	[sflag:s18] =	ssyncset.done $0x0  }
0x50: {  	s11 =	rddreg [dreg:$0xc];
	[sflag:s18] =	ssyncadd.s32 $0xFFFFFC00  }
0x51: {  	[spmem:s11] =	stream.linear.scatter [tilespmem:s17], [sflag:$0xA], $0x2000, $0x38;
	[tilespmem:$0x1E240] =	vst v63  }
0x52: {  	_ =	swait.ge [sflag:s18], $0x2000  }
0x53: {  	[sflag:s18] =	ssyncset.done $0x0  }
0x54: {  	s12 =	rddreg [dreg:$0xd];
	[sflag:s18] =	ssyncadd.s32 $0xFFFFE000  }
0x55: {  	[spmem:s12] =	stream.linear.scatter [tilespmem:s19], [sflag:$0xA], $0x400, $0x38;
	[tilespmem:$0x1E240] =	vst v63  }
0x56: {  	_ =	swait.ge [sflag:s18], $0x400  }
0x57: {  	[sflag:s18] =	ssyncset.done $0x0  }
0x58: {  	s13 =	rddreg [dreg:$0x13];
	[sflag:s18] =	ssyncadd.s32 $0xFFFFFC00  }
0x59: {  	[spmem:s13] =	stream.linear.scatter [tilespmem:s17], [sflag:$0xA], $0x2000, $0x38;
	[tilespmem:$0x1E240] =	vst v63  }
0x5a: {  	_ =	swait.ge [sflag:s18], $0x2000  }
0x5b: {  	[sflag:s18] =	ssyncset.done $0x0  }
0x5c: {  	s14 =	rddreg [dreg:$0x14];
	[sflag:s18] =	ssyncadd.s32 $0xFFFFE000  }
0x5d: {  	[spmem:s14] =	stream.linear.scatter [tilespmem:s19], [sflag:$0xA], $0x400, $0x38;
	[tilespmem:$0x1E240] =	vst v63  }
0x5e: {  	_ =	swait.ge [sflag:s18], $0x400  }
0x5f: {  	[sflag:s18] =	ssyncset.done $0x0  }
0x60: {  	s15 =	rddreg [dreg:$0x15];
	[sflag:s18] =	ssyncadd.s32 $0xFFFFFC00  }
0x61: {  	[spmem:s15] =	stream.linear.scatter [tilespmem:s17], [sflag:$0xA], $0x2000, $0x38;
	[tilespmem:$0x1E240] =	vst v63  }
0x62: {  	_ =	swait.ge [sflag:s18], $0x2000  }
0x63: {  	[sflag:s18] =	ssyncset.done $0x0  }
0x64: {  	s20 =	rddreg [dreg:$0x16];
	[sflag:s18] =	ssyncadd.s32 $0xFFFFE000  }
0x65: {  	[spmem:s20] =	stream.linear.scatter [tilespmem:s19], [sflag:$0xA], $0x400, $0x38;
	[tilespmem:$0x1E240] =	vst v63  }
0x66: {  	_ =	swait.ge [sflag:s18], $0x400  }
0x67: {  	[sflag:s18] =	ssyncset.done $0x0  }
0x68: {  	s21 =	rddreg [dreg:$0x17];
	[sflag:s18] =	ssyncadd.s32 $0xFFFFFC00  }
0x69: {  	[spmem:s21] =	stream.linear.scatter [tilespmem:s17], [sflag:$0xA], $0x2000, $0x38;
	[tilespmem:$0x1E240] =	vst v63  }
0x6a: {  	_ =	swait.ge [sflag:s18], $0x2000  }
0x6b: {  	[sflag:s18] =	ssyncset.done $0x0  }
0x6c: {  	s22 =	rddreg [dreg:$0x18];
	[sflag:s18] =	ssyncadd.s32 $0xFFFFE000  }
0x6d: {  	[spmem:s22] =	stream.linear.scatter [tilespmem:s19], [sflag:$0xA], $0x400, $0x38;
	[tilespmem:$0x1E240] =	vst v63  }
0x6e: {  	_ =	swait.ge [sflag:s18], $0x400  }
0x6f: {  	[sflag:s18] =	ssyncset.done $0x0  }
0x70: {  	s24 =	rddreg [dreg:$0x19];
	[sflag:s18] =	ssyncadd.s32 $0xFFFFFC00  }
0x71: {  	[spmem:s24] =	stream.linear.scatter [tilespmem:s17], [sflag:$0xA], $0x2000, $0x38;
	[tilespmem:$0x1E240] =	vst v63  }
0x72: {  	_ =	swait.ge [sflag:s18], $0x2000  }
0x73: {  	[sflag:s18] =	ssyncset.done $0x0  }
0x74: {  	s25 =	rddreg [dreg:$0x1a];
	[sflag:s18] =	ssyncadd.s32 $0xFFFFE000  }
0x75: {  	[spmem:s25] =	stream.linear.scatter [tilespmem:s19], [sflag:$0xA], $0x400, $0x38;
	[tilespmem:$0x1E240] =	vst v63  }
0x76: {  	_ =	swait.ge [sflag:s18], $0x400  }
0x77: {  	[sflag:s18] =	ssyncset.done $0x0  }
0x78: {  	s26 =	rddreg [dreg:$0x1b];
	[sflag:s18] =	ssyncadd.s32 $0xFFFFFC00  }
0x79: {  	[spmem:s26] =	stream.linear.scatter [tilespmem:s17], [sflag:$0xA], $0x2000, $0x38;
	[tilespmem:$0x1E240] =	vst v63  }
0x7a: {  	_ =	swait.ge [sflag:s18], $0x2000  }
0x7b: {  	[sflag:s18] =	ssyncset.done $0x0  }
0x7c: {  	s2 =	rddreg [dreg:$0x1c];
	[sflag:s18] =	ssyncadd.s32 $0xFFFFE000  }
0x7d: {  	[spmem:s2] =	stream.linear.scatter [tilespmem:s19], [sflag:$0xA], $0x400, $0x38;
	[tilespmem:$0x1E240] =	vst v63  }
0x7e: {  	_ =	swait.ge [sflag:s18], $0x400  }
0x7f: {  	[sflag:s18] =	ssyncset.done $0x0  }
0x80: {  	s9 =	rddreg [dreg:$0x1d];
	[sflag:s18] =	ssyncadd.s32 $0xFFFFFC00  }
0x81: {  	[spmem:s9] =	stream.linear.scatter [tilespmem:s17], [sflag:$0xA], $0x2000, $0x38;
	[tilespmem:$0x1E240] =	vst v63  }
0x82: {  	_ =	swait.ge [sflag:s18], $0x2000  }
0x83: {  	[sflag:s18] =	ssyncset.done $0x0  }
0x84: {  	s10 =	rddreg [dreg:$0x1e];
	[sflag:s18] =	ssyncadd.s32 $0xFFFFE000  }
0x85: {  	[spmem:s10] =	stream.linear.scatter [tilespmem:s19], [sflag:$0xA], $0x400, $0x38;
	[tilespmem:$0x1E240] =	vst v63  }
0x86: {  	_ =	swait.ge [sflag:s18], $0x400  }
0x87: {  	[sflag:s18] =	ssyncset.done $0x0  }
0x88: {  	s11 =	rddreg [dreg:$0x1f];
	[sflag:s18] =	ssyncadd.s32 $0xFFFFFC00  }
0x89: {  	[spmem:s11] =	stream.linear.scatter [tilespmem:s17], [sflag:$0xA], $0x2000, $0x38;
	[tilespmem:$0x1E240] =	vst v63  }
0x8a: {  	_ =	swait.ge [sflag:s18], $0x2000  }
0x8b: {  	s12 =	sld [smem:$0x7FB]  }
0x8c: {  	[sflag:s18] =	ssyncset.done $0x0  }
0x8d: {  	[sflag:s18] =	ssyncadd.s32 $0xFFFFE000  }
0x8e: {  	[spmem:s12] =	stream.linear.scatter [tilespmem:s19], [sflag:$0xA], $0x400, $0x38;
	[tilespmem:$0x1E240] =	vst v63  }
0x8f: {  	_ =	swait.ge [sflag:s18], $0x400  }
0x90: {  	[sflag:s18] =	ssyncset.done $0x0  }
0x91: {  	[sflag:s18] =	ssyncadd.s32 $0xFFFFFC00  }
0x92: {  	[bflag:$0x0] =	sbarrier.arrive $0xFFFF  }
0x93: {  	s13 =	simm.s32 $0x0;
	s2 =	rddreg [dreg:$0xe]  }
0x94: {  	[tilespmem:s13], [sflag:$0x1] =	stream.linear.gather [hbm4b:s2+s13], $0x40, $0x38;
	[tilespmem:$0x1E240] =	vst v63  }
0x95: {  	s15 =	simm.s32 $0xC0;
	s14 =	rddreg [dreg:$0xf]  }
0x96: {  	[tilespmem:s15], [sflag:$0x1] =	stream.linear.gather [hbm4b:s14+s13], $0x40, $0x38;
	[tilespmem:$0x1E240] =	vst v63  }
0x97: {  	_ =	swait.ge [sflag:s23], $0x40  }
0x98: {  	[sflag:s23] =	ssyncset.done $0x0  }
0x99: {  	[sflag:s23] =	ssyncadd.s32 $0xFFFFFFC0  }
0x9a: {  	_ =	swait.ge [sflag:s23], $0x40  }
0x9b: {  	[sflag:s23] =	ssyncset.done $0x0  }
0x9c: {  	s20 =	simm.s32 $0x40;
	[sflag:s23] =	ssyncadd.s32 $0xFFFFFFC0  }
0x9d: {  	[tilespmem:s19], [sflag:$0x4] =	stream.indirect.gather [hbm4b:s6+s20], $0x10, s13, s20, $0xb8;
	[tilespmem:$0x1E240] =	vst v63  }
0x9e: {  	s21 =	simm.s32 $0xE40  }
0x9f: {  	[tilespmem:s21], [sflag:$0x4] =	stream.indirect.gather [hbm4b:s7+s20], $0x10, s15, s20, $0xb8;
	[tilespmem:$0x1E240] =	vst v63  }
0xa0: {  	s24 =	rddreg [dreg:$0x6]  }
0xa1: {  	[tilespmem:s17], [sflag:$0x4] =	stream.indirect.gather [hbm4b:s1+s20], $0x80, s13, s20, $0xb8;
	[tilespmem:$0x1E240] =	vst v63  }
0xa2: {  	s22 =	rddreg [dreg:$0x11];
	p1 =	sle.u32 s24, $0x0  }
0xa3: {  	[tilespmem:s20], [sflag:$0x2] =	stream.linear.gather [hbm4b:s22+s13], $0x40, $0x38;
	[tilespmem:$0x1E240] =	vst v63  }
0xa4: {  	s26 =	simm.s32 $0x100;
	s25 =	rddreg [dreg:$0x12];
	s2 =	simm.s32 @!p1 $0x2  }
0xa5: {  	[tilespmem:s26], [sflag:$0x2] =	stream.linear.gather [hbm4b:s25+s13], $0x40, $0x38;
	[tilespmem:$0x1E240] =	vst v63  }
0xa6: {  	_ =	swait.ge @!p1 [sflag:s2], $0x40  }
0xa7: {  	[sflag:s2] =	ssyncset.done @!p1 $0x0  }
0xa8: {  	s10 =	sadd.s32 $0x0, s8;
	[sflag:s2] =	ssyncadd.s32 @!p1 $0xFFFFFFC0  }
0xa9: {  	s21 =	sadd.s32 $0xFFFFFFC0, s10;
	_ =	swait.ge @!p1 [sflag:s2], $0x40  }
0xaa: {  	p0 =	sgt.u32 s21, $0x1387;
	[sflag:s2] =	ssyncset.done @!p1 $0x0  }
0xab: {  	[sflag:s2] =	ssyncadd.s32 @!p1 $0xFFFFFFC0;
	s2 =	simm.s32 @!p0 $0x8  }
0xac: {  	_ =	swait.ge @!p0 [sflag:s2], $0x2000  }
0xad: {  	[sflag:s2] =	ssyncset.done @!p0 $0x0  }
0xae: {  	[sflag:s2] =	ssyncadd.s32 @!p0 $0xFFFFE000  }
0xaf: {  	_ =	swait.ge @!p0 [sflag:s2], $0x400  }
0xb0: {  	s11 =	simm.s32 @!p1 $0x640;
	[sflag:s2] =	ssyncset.done @!p0 $0x0  }
0xb1: {  	s12 =	simm.s32 @!p1 $0x40;
	s22 =	rddreg [dreg:$0x7];
	[sflag:s2] =	ssyncadd.s32 @!p0 $0xFFFFFC00  }
0xb2: {  	[tilespmem:s11], [sflag:$0x5] =	stream.indirect.gather @!p1 [hbm4b:s6+s12], $0x10, s12, s12, $0xb8;
	[tilespmem:$0x1E240] =	vst v63  }
0xb3: {  	s14 =	simm.s32 @!p1 $0x1240;
	s13 =	simm.s32 @!p1 $0x100;
	p2 =	sle.u32 s22, $0x0  }
0xb4: {  	[tilespmem:s14], [sflag:$0x5] =	stream.indirect.gather @!p1 [hbm4b:s7+s12], $0x10, s13, s12, $0xb8;
	[tilespmem:$0x1E240] =	vst v63  }
0xb5: {  	s2 =	simm.s32 @!p2 $0x4;
	s13 =	simm.s32 @!p1 $0x3A40  }
0xb6: {  	[tilespmem:s13], [sflag:$0x5] =	stream.indirect.gather @!p1 [hbm4b:s1+s12], $0x80, s12, s12, $0xb8;
	[tilespmem:$0x1E240] =	vst v63  }
0xb7: {  	_ =	swait.ge @!p2 [sflag:s2], $0x400  }
0xb8: {  	[sflag:s2] =	ssyncset.done @!p2 $0x0  }
0xb9: {  	[sflag:s2] =	ssyncadd.s32 @!p2 $0xFFFFFC00  }
0xba: {  	_ =	swait.ge @!p2 [sflag:s2], $0x400  }
0xbb: {  	[sflag:s2] =	ssyncset.done @!p2 $0x0  }
0xbc: {  	[sflag:s2] =	ssyncadd.s32 @!p2 $0xFFFFFC00  }
0xbd: {  	_ =	swait.ge @!p2 [sflag:s2], $0x2000  }
0xbe: {  	[sflag:s2] =	ssyncset.done @!p2 $0x0  }
0xbf: {  	[sflag:s2] =	ssyncadd.s32 @!p2 $0xFFFFE000  }
0xc0: {  	v1 =	vld @!p2 [tilespmem:$0xF0]  }
0xc1: {  	v2 =	vld @!p2 [tilespmem:$0xE0]  }
0xc2: {  	v3 =	vld @!p2 [tilespmem:$0xC0]  }
0xc3: {  	v4 =	vld @!p2 [tilespmem:$0xD0];
	_ =	sdelay $0x1  }
0xc4: {  	s24 =	sadd.s32 $0x40, s10;
	[tilespmem:$0x1B0] =	vst @!p2 v1  }
0xc5: {  	p0 =	sgt.u32 s24, $0x1387;
	[tilespmem:$0x1A0] =	vst @!p2 v2  }
0xc6: {  	s15 =	simm.s32 @!p0 $0x0;
	s2 =	sadd.s32 @!p0 s29, s16;
	[tilespmem:$0x180] =	vst @!p2 v3  }
0xc7: {  	s20 =	simm.s32 @!p0 $0x80;
	s14 =	sadd.s32 @!p0 s30, s16;
	s2 =	sadd.s32 @!p0 $0x200, s2;
	[tilespmem:$0x190] =	vst @!p2 v4  }
0xc8: {  	[tilespmem:s20], [sflag:$0x3] =	stream.linear.gather @!p0 [hbm4b:s2+s15], $0x40, $0x38;
	[tilespmem:$0x1E240] =	vst v63  }
0xc9: {  	s2 =	sadd.s32 @!p0 $0x200, s14;
	s14 =	simm.s32 @!p0 $0x140  }
0xca: {  	[tilespmem:s14], [sflag:$0x3] =	stream.linear.gather @!p0 [hbm4b:s2+s15], $0x40, $0x38;
	[tilespmem:$0x1E240] =	vst v63  }
0xcb: {  	s21 =	simm.s32 @!p2 $0x1A40;
	s2 =	simm.s32 @!p2 $0x40;
	s15 =	simm.s32 @!p2 $0x180  }
0xcc: {  	[spmem:s3] =	stream.indirect.scatter.add.f32 @!p2 [tilespmem:s21], [sflag:$0x7], $0x80, s15, s2, $0xb8;
	[tilespmem:$0x1E240] =	vst v63  }
0xcd: {  	s22 =	simm.s32 @!p0 $0x3;
	s21 =	simm.s32 @!p2 $0x240  }
0xce: {  	[spmem:s4] =	stream.indirect.scatter.add.f32 @!p2 [tilespmem:s21], [sflag:$0x7], $0x10, s15, s2, $0xb8;
	[tilespmem:$0x1E240] =	vst v63  }
0xcf: {  	_ =	swait.ge @!p0 [sflag:s22], $0x40  }
0xd0: {  	[sflag:s22] =	ssyncset.done @!p0 $0x0  }
0xd1: {  	[sflag:s22] =	ssyncadd.s32 @!p0 $0xFFFFFFC0  }
0xd2: {  	s25 =	sadd.s32 $0xFFFFFFE0, s10;
	_ =	swait.ge @!p0 [sflag:s22], $0x40  }
0xd3: {  	p3 =	sgt.u32 s25, $0x1387;
	[sflag:s22] =	ssyncset.done @!p0 $0x0  }
0xd4: {  	s2 =	simm.s32 @!p3 $0x9;
	[sflag:s22] =	ssyncadd.s32 @!p0 $0xFFFFFFC0  }
0xd5: {  	_ =	swait.ge @!p3 [sflag:s2], $0x2000  }
0xd6: {  	[sflag:s2] =	ssyncset.done @!p3 $0x0  }
0xd7: {  	[sflag:s2] =	ssyncadd.s32 @!p3 $0xFFFFE000  }
0xd8: {  	_ =	swait.ge @!p3 [sflag:s2], $0x400  }
0xd9: {  	[sflag:s2] =	ssyncset.done @!p3 $0x0  }
0xda: {  	s31 =	simm.s32 @!p0 $0x40;
	[sflag:s2] =	ssyncadd.s32 @!p3 $0xFFFFFC00;
	s2 =	simm.s32 @!p0 $0xA40  }
0xdb: {  	[tilespmem:s2], [sflag:$0x6] =	stream.indirect.gather @!p0 [hbm4b:s6+s31], $0x10, s20, s31, $0xb8;
	[tilespmem:$0x1E240] =	vst v63  }
0xdc: {  	s15 =	simm.s32 @!p0 $0x1640  }
0xdd: {  	[tilespmem:s15], [sflag:$0x6] =	stream.indirect.gather @!p0 [hbm4b:s7+s31], $0x10, s14, s31, $0xb8;
	[tilespmem:$0x1E240] =	vst v63  }
0xde: {  	s22 =	simm.s32 @!p0 $0x5A40;
	s14 =	simm.s32 @!p1 $0x5  }
0xdf: {  	[tilespmem:s22], [sflag:$0x6] =	stream.indirect.gather @!p0 [hbm4b:s1+s31], $0x80, s20, s31, $0xb8;
	[tilespmem:$0x1E240] =	vst v63  }
0xe0: {  	_ =	swait.ge @!p1 [sflag:s14], $0x400  }
0xe1: {  	[sflag:s14] =	ssyncset.done @!p1 $0x0  }
0xe2: {  	[sflag:s14] =	ssyncadd.s32 @!p1 $0xFFFFFC00  }
0xe3: {  	_ =	swait.ge @!p1 [sflag:s14], $0x400  }
0xe4: {  	[sflag:s14] =	ssyncset.done @!p1 $0x0  }
0xe5: {  	[sflag:s14] =	ssyncadd.s32 @!p1 $0xFFFFFC00  }
0xe6: {  	_ =	swait.ge @!p1 [sflag:s14], $0x2000  }
0xe7: {  	[sflag:s14] =	ssyncset.done @!p1 $0x0  }
0xe8: {  	[sflag:s14] =	ssyncadd.s32 @!p1 $0xFFFFE000  }
0xe9: {  	v1 =	vld @!p1 [tilespmem:$0x100]  }
0xea: {  	v2 =	vld @!p1 [tilespmem:$0x110]  }
0xeb: {  	v3 =	vld @!p1 [tilespmem:$0x130]  }
0xec: {  	v4 =	vld @!p1 [tilespmem:$0x120];
	_ =	sdelay $0x1  }
0xed: {  	s26 =	sadd.s32 $0x60, s10;
	[tilespmem:$0x1C0] =	vst @!p1 v1  }
0xee: {  	p3 =	sgt.u32 s26, $0x1387;
	[tilespmem:$0x1D0] =	vst @!p1 v2  }
0xef: {  	s14 =	sadd.s32 @!p3 s29, s16;
	[tilespmem:$0x1F0] =	vst @!p1 v3  }
0xf0: {  	s15 =	sadd.s32 @!p3 s30, s16;
	s20 =	simm.s32 @!p3 $0x0;
	s14 =	sadd.s32 @!p3 $0x300, s14;
	[tilespmem:$0x1E0] =	vst @!p1 v4  }
0xf1: {  	[tilespmem:s20], [sflag:$0x1] =	stream.linear.gather @!p3 [hbm4b:s14+s20], $0x40, $0x38;
	[tilespmem:$0x1E240] =	vst v63  }
0xf2: {  	s14 =	sadd.s32 @!p3 $0x300, s15;
	s15 =	simm.s32 @!p3 $0xC0  }
0xf3: {  	[tilespmem:s15], [sflag:$0x1] =	stream.linear.gather @!p3 [hbm4b:s14+s20], $0x40, $0x38;
	[tilespmem:$0x1E240] =	vst v63  }
0xf4: {  	s14 =	simm.s32 @!p1 $0x1C0  }
0xf5: {  	[spmem:s3] =	stream.indirect.scatter.add.f32 @!p1 [tilespmem:s13], [sflag:$0x8], $0x80, s14, s12, $0xb8;
	[tilespmem:$0x1E240] =	vst v63  }
0xf6: {  	_ = 	snop  }
0xf7: {  	[spmem:s4] =	stream.indirect.scatter.add.f32 @!p1 [tilespmem:s11], [sflag:$0x8], $0x10, s14, s12, $0xb8;
	[tilespmem:$0x1E240] =	vst v63  }
0xf8: {  	s11 =	simm.s32 @!p3 $0x1  }
0xf9: {  	_ =	swait.ge @!p3 [sflag:s11], $0x40  }
0xfa: {  	[sflag:s11] =	ssyncset.done @!p3 $0x0  }
0xfb: {  	[sflag:s11] =	ssyncadd.s32 @!p3 $0xFFFFFFC0  }
0xfc: {  	_ =	swait.ge @!p3 [sflag:s11], $0x40  }
0xfd: {  	[sflag:s11] =	ssyncset.done @!p3 $0x0  }
0xfe: {  	[sflag:s11] =	ssyncadd.s32 @!p3 $0xFFFFFFC0;
	s11 =	simm.s32 @!p2 $0x7  }
0xff: {  	_ =	swait.ge @!p2 [sflag:s11], $0x2000  }
0x100: {  	[sflag:s11] =	ssyncset.done @!p2 $0x0  }
0x101: {  	[sflag:s11] =	ssyncadd.s32 @!p2 $0xFFFFE000  }
0x102: {  	_ =	swait.ge @!p2 [sflag:s11], $0x400  }
0x103: {  	[sflag:s11] =	ssyncset.done @!p2 $0x0  }
0x104: {  	s12 =	simm.s32 @!p3 $0x240;
	[sflag:s11] =	ssyncadd.s32 @!p2 $0xFFFFFC00;
	s11 =	simm.s32 @!p3 $0x40  }
0x105: {  	[tilespmem:s12], [sflag:$0x4] =	stream.indirect.gather @!p3 [hbm4b:s6+s11], $0x10, s20, s11, $0xb8;
	[tilespmem:$0x1E240] =	vst v63  }
0x106: {  	s12 =	simm.s32 @!p3 $0xE40  }
0x107: {  	[tilespmem:s12], [sflag:$0x4] =	stream.indirect.gather @!p3 [hbm4b:s7+s11], $0x10, s15, s11, $0xb8;
	[tilespmem:$0x1E240] =	vst v63  }
0x108: {  	s13 =	simm.s32 @!p0 $0x6;
	s12 =	simm.s32 @!p3 $0x1A40  }
0x109: {  	[tilespmem:s12], [sflag:$0x4] =	stream.indirect.gather @!p3 [hbm4b:s1+s11], $0x80, s20, s11, $0xb8;
	[tilespmem:$0x1E240] =	vst v63  }
0x10a: {  	_ =	swait.ge @!p0 [sflag:s13], $0x400  }
0x10b: {  	[sflag:s13] =	ssyncset.done @!p0 $0x0  }
0x10c: {  	[sflag:s13] =	ssyncadd.s32 @!p0 $0xFFFFFC00  }
0x10d: {  	_ =	swait.ge @!p0 [sflag:s13], $0x400  }
0x10e: {  	[sflag:s13] =	ssyncset.done @!p0 $0x0  }
0x10f: {  	[sflag:s13] =	ssyncadd.s32 @!p0 $0xFFFFFC00  }
0x110: {  	_ =	swait.ge @!p0 [sflag:s13], $0x2000  }
0x111: {  	[sflag:s13] =	ssyncset.done @!p0 $0x0  }
0x112: {  	[sflag:s13] =	ssyncadd.s32 @!p0 $0xFFFFE000  }
0x113: {  	v1 =	vld @!p0 [tilespmem:$0x140]  }
0x114: {  	s28 =	smov.u32 s30;
	s0 =	sadd.s32 $0x80, s10;
	s25 =	simm.s32 $0x60;
	v2 =	vld @!p0 [tilespmem:$0x150]  }
0x115: {  	s21 =	smov.u32 s30;
	s26 =	smov.u32 s29;
	s20 =	smov.u32 s29;
	v3 =	vld @!p0 [tilespmem:$0x170]  }
.LBB2_4:
0x116: {  	v4 =	vld @!p0 [tilespmem:$0x160];
	_ =	sdelay $0x1  }
0x117: {  	[tilespmem:$0x200] =	vst @!p0 v1  }
0x118: {  	p2 =	sgt.u32 s0, $0x1387;
	[tilespmem:$0x210] =	vst @!p0 v2  }
0x119: {  	s15 =	smov.u32 s25;
	s0 =	sadd.s32 @!p2 s26, s16;
	s11 =	simm.s32 @!p2 $0x40;
	[tilespmem:$0x230] =	vst @!p0 v3  }
0x11a: {  	s12 =	sadd.s32 @!p2 s28, s16;
	s14 =	simm.s32 @!p2 $0x0;
	s0 =	sadd.s32 @!p2 $0x400, s0;
	[tilespmem:$0x220] =	vst @!p0 v4  }
0x11b: {  	[tilespmem:s11], [sflag:$0x2] =	stream.linear.gather @!p2 [hbm4b:s0+s14], $0x40, $0x38;
	[tilespmem:$0x1E240] =	vst v63  }
0x11c: {  	s13 =	rddreg [dreg:$0x6];
	s0 =	sadd.s32 @!p2 $0x400, s12;
	s11 =	simm.s32 @!p2 $0x100  }
0x11d: {  	[tilespmem:s11], [sflag:$0x2] =	stream.linear.gather @!p2 [hbm4b:s0+s14], $0x40, $0x38;
	[tilespmem:$0x1E240] =	vst v63  }
0x11e: {  	p2 =	sge.u32 s15, s13;
	s0 =	simm.s32 @!p0 $0x200  }
0x11f: {  	[spmem:s3] =	stream.indirect.scatter.add.f32 @!p0 [tilespmem:s22], [sflag:$0x9], $0x80, s0, s31, $0xb8;
	[tilespmem:$0x1E240] =	vst v63  }
0x120: {  	s11 =	simm.s32 @!p2 $0x2  }
0x121: {  	[spmem:s4] =	stream.indirect.scatter.add.f32 @!p0 [tilespmem:s2], [sflag:$0x9], $0x10, s0, s31, $0xb8;
	[tilespmem:$0x1E240] =	vst v63  }
0x122: {  	_ =	swait.ge @!p2 [sflag:s11], $0x40  }
0x123: {  	[sflag:s11] =	ssyncset.done @!p2 $0x0  }
0x124: {  	s14 =	sadd.s32 s15, s8;
	[sflag:s11] =	ssyncadd.s32 @!p2 $0xFFFFFFC0  }
0x125: {  	s22 =	sadd.s32 $0xFFFFFFC0, s14;
	_ =	swait.ge @!p2 [sflag:s11], $0x40  }
0x126: {  	p0 =	sgt.u32 s22, $0x1387;
	[sflag:s11] =	ssyncset.done @!p2 $0x0  }
0x127: {  	s12 =	simm.s32 @!p0 $0x8;
	[sflag:s11] =	ssyncadd.s32 @!p2 $0xFFFFFFC0  }
0x128: {  	_ =	swait.ge @!p0 [sflag:s12], $0x2000  }
0x129: {  	[sflag:s12] =	ssyncset.done @!p0 $0x0  }
0x12a: {  	s24 =	sadd.s32 $0x40, s14;
	[sflag:s12] =	ssyncadd.s32 @!p0 $0xFFFFE000  }
0x12b: {  	s13 =	sadd.s32 $0x60, s14;
	s9 =	simm.s32 @!p2 $0x1240;
	_ =	swait.ge @!p0 [sflag:s12], $0x400  }
0x12c: {  	s2 =	sadd.s32 $0xFFFFFFE0, s14;
	s11 =	simm.s32 @!p2 $0x640;
	[sflag:s12] =	ssyncset.done @!p0 $0x0  }
0x12d: {  	s31 =	rddreg [dreg:$0x7];
	[sflag:s12] =	ssyncadd.s32 @!p0 $0xFFFFFC00;
	s12 =	simm.s32 @!p2 $0x40  }
0x12e: {  	[tilespmem:s11], [sflag:$0x5] =	stream.indirect.gather @!p2 [hbm4b:s6+s12], $0x10, s12, s12, $0xb8;
	[tilespmem:$0x1E240] =	vst v63  }
0x12f: {  	s0 =	sadd.s32 $0x80, s14;
	s14 =	simm.s32 @!p2 $0x100;
	p3 =	sge.u32 s15, s31  }
0x130: {  	[tilespmem:s9], [sflag:$0x5] =	stream.indirect.gather @!p2 [hbm4b:s7+s12], $0x10, s14, s12, $0xb8;
	[tilespmem:$0x1E240] =	vst v63  }
0x131: {  	s14 =	simm.s32 @!p2 $0x3A40;
	s9 =	simm.s32 @!p3 $0x4  }
0x132: {  	[tilespmem:s14], [sflag:$0x5] =	stream.indirect.gather @!p2 [hbm4b:s1+s12], $0x80, s12, s12, $0xb8;
	[tilespmem:$0x1E240] =	vst v63  }
0x133: {  	_ =	swait.ge @!p3 [sflag:s9], $0x400  }
0x134: {  	[sflag:s9] =	ssyncset.done @!p3 $0x0  }
0x135: {  	[sflag:s9] =	ssyncadd.s32 @!p3 $0xFFFFFC00  }
0x136: {  	_ =	swait.ge @!p3 [sflag:s9], $0x400  }
0x137: {  	[sflag:s9] =	ssyncset.done @!p3 $0x0  }
0x138: {  	[sflag:s9] =	ssyncadd.s32 @!p3 $0xFFFFFC00  }
0x139: {  	_ =	swait.ge @!p3 [sflag:s9], $0x2000  }
0x13a: {  	[sflag:s9] =	ssyncset.done @!p3 $0x0  }
0x13b: {  	[sflag:s9] =	ssyncadd.s32 @!p3 $0xFFFFE000  }
0x13c: {  	v1 =	vld @!p3 [tilespmem:$0xF0]  }
0x13d: {  	v2 =	vld @!p3 [tilespmem:$0xE0]  }
0x13e: {  	v3 =	vld @!p3 [tilespmem:$0xC0]  }
0x13f: {  	v4 =	vld @!p3 [tilespmem:$0xD0];
	_ =	sdelay $0x1  }
0x140: {  	[tilespmem:$0x1B0] =	vst @!p3 v1  }
0x141: {  	s20 =	sadd.s32 $0x300, s20;
	s21 =	sadd.s32 $0x300, s21;
	p0 =	sgt.u32 s24, $0x1387;
	[tilespmem:$0x1A0] =	vst @!p3 v2  }
0x142: {  	s15 =	sadd.s32 @!p0 s21, s16;
	s9 =	sadd.s32 @!p0 s20, s16;
	[tilespmem:$0x180] =	vst @!p3 v3  }
0x143: {  	s22 =	simm.s32 @!p0 $0x0;
	s10 =	simm.s32 @!p0 $0x80;
	s9 =	sadd.s32 @!p0 $0x200, s9;
	[tilespmem:$0x190] =	vst @!p3 v4  }
0x144: {  	[tilespmem:s10], [sflag:$0x3] =	stream.linear.gather @!p0 [hbm4b:s9+s22], $0x40, $0x38;
	[tilespmem:$0x1E240] =	vst v63  }
0x145: {  	s9 =	sadd.s32 @!p0 $0x200, s15;
	s15 =	simm.s32 @!p0 $0x140  }
0x146: {  	[tilespmem:s15], [sflag:$0x3] =	stream.linear.gather @!p0 [hbm4b:s9+s22], $0x40, $0x38;
	[tilespmem:$0x1E240] =	vst v63  }
0x147: {  	s31 =	simm.s32 @!p3 $0x1A40;
	s9 =	simm.s32 @!p3 $0x40;
	s22 =	simm.s32 @!p3 $0x180  }
0x148: {  	[spmem:s3] =	stream.indirect.scatter.add.f32 @!p3 [tilespmem:s31], [sflag:$0x7], $0x80, s22, s9, $0xb8;
	[tilespmem:$0x1E240] =	vst v63  }
0x149: {  	s24 =	simm.s32 @!p0 $0x3;
	s31 =	simm.s32 @!p3 $0x240  }
0x14a: {  	[spmem:s4] =	stream.indirect.scatter.add.f32 @!p3 [tilespmem:s31], [sflag:$0x7], $0x10, s22, s9, $0xb8;
	[tilespmem:$0x1E240] =	vst v63  }
0x14b: {  	_ =	swait.ge @!p0 [sflag:s24], $0x40  }
0x14c: {  	[sflag:s24] =	ssyncset.done @!p0 $0x0  }
0x14d: {  	[sflag:s24] =	ssyncadd.s32 @!p0 $0xFFFFFFC0  }
0x14e: {  	_ =	swait.ge @!p0 [sflag:s24], $0x40  }
0x14f: {  	p4 =	sgt.u32 s2, $0x1387;
	[sflag:s24] =	ssyncset.done @!p0 $0x0  }
0x150: {  	s2 =	simm.s32 @!p4 $0x9;
	[sflag:s24] =	ssyncadd.s32 @!p0 $0xFFFFFFC0  }
0x151: {  	_ =	swait.ge @!p4 [sflag:s2], $0x2000  }
0x152: {  	[sflag:s2] =	ssyncset.done @!p4 $0x0  }
0x153: {  	[sflag:s2] =	ssyncadd.s32 @!p4 $0xFFFFE000  }
0x154: {  	_ =	swait.ge @!p4 [sflag:s2], $0x400  }
0x155: {  	[sflag:s2] =	ssyncset.done @!p4 $0x0  }
0x156: {  	s31 =	simm.s32 @!p0 $0x40;
	[sflag:s2] =	ssyncadd.s32 @!p4 $0xFFFFFC00;
	s2 =	simm.s32 @!p0 $0xA40  }
0x157: {  	[tilespmem:s2], [sflag:$0x6] =	stream.indirect.gather @!p0 [hbm4b:s6+s31], $0x10, s10, s31, $0xb8;
	[tilespmem:$0x1E240] =	vst v63  }
0x158: {  	s9 =	simm.s32 @!p0 $0x1640  }
0x159: {  	[tilespmem:s9], [sflag:$0x6] =	stream.indirect.gather @!p0 [hbm4b:s7+s31], $0x10, s15, s31, $0xb8;
	[tilespmem:$0x1E240] =	vst v63  }
0x15a: {  	s22 =	simm.s32 @!p0 $0x5A40;
	s9 =	simm.s32 @!p2 $0x5  }
0x15b: {  	[tilespmem:s22], [sflag:$0x6] =	stream.indirect.gather @!p0 [hbm4b:s1+s31], $0x80, s10, s31, $0xb8;
	[tilespmem:$0x1E240] =	vst v63  }
0x15c: {  	_ =	swait.ge @!p2 [sflag:s9], $0x400  }
0x15d: {  	[sflag:s9] =	ssyncset.done @!p2 $0x0  }
0x15e: {  	[sflag:s9] =	ssyncadd.s32 @!p2 $0xFFFFFC00  }
0x15f: {  	_ =	swait.ge @!p2 [sflag:s9], $0x400  }
0x160: {  	[sflag:s9] =	ssyncset.done @!p2 $0x0  }
0x161: {  	[sflag:s9] =	ssyncadd.s32 @!p2 $0xFFFFFC00  }
0x162: {  	_ =	swait.ge @!p2 [sflag:s9], $0x2000  }
0x163: {  	[sflag:s9] =	ssyncset.done @!p2 $0x0  }
0x164: {  	[sflag:s9] =	ssyncadd.s32 @!p2 $0xFFFFE000  }
0x165: {  	v1 =	vld @!p2 [tilespmem:$0x100]  }
0x166: {  	v2 =	vld @!p2 [tilespmem:$0x110]  }
0x167: {  	v3 =	vld @!p2 [tilespmem:$0x130]  }
0x168: {  	v4 =	vld @!p2 [tilespmem:$0x120];
	_ =	sdelay $0x1  }
0x169: {  	[tilespmem:$0x1C0] =	vst @!p2 v1  }
0x16a: {  	p4 =	sgt.u32 s13, $0x1387;
	[tilespmem:$0x1D0] =	vst @!p2 v2  }
0x16b: {  	s9 =	sadd.s32 @!p4 s20, s16;
	[tilespmem:$0x1F0] =	vst @!p2 v3  }
0x16c: {  	s13 =	simm.s32 @!p4 $0x0;
	s10 =	sadd.s32 @!p4 s21, s16;
	s9 =	sadd.s32 @!p4 $0x300, s9;
	[tilespmem:$0x1E0] =	vst @!p2 v4  }
0x16d: {  	[tilespmem:s13], [sflag:$0x1] =	stream.linear.gather @!p4 [hbm4b:s9+s13], $0x40, $0x38;
	[tilespmem:$0x1E240] =	vst v63  }
0x16e: {  	s10 =	sadd.s32 @!p4 $0x300, s10;
	s9 =	simm.s32 @!p4 $0xC0  }
0x16f: {  	[tilespmem:s9], [sflag:$0x1] =	stream.linear.gather @!p4 [hbm4b:s10+s13], $0x40, $0x38;
	[tilespmem:$0x1E240] =	vst v63  }
0x170: {  	s10 =	simm.s32 @!p2 $0x1C0  }
0x171: {  	[spmem:s3] =	stream.indirect.scatter.add.f32 @!p2 [tilespmem:s14], [sflag:$0x8], $0x80, s10, s12, $0xb8;
	[tilespmem:$0x1E240] =	vst v63  }
0x172: {  	s14 =	simm.s32 @!p4 $0x1  }
0x173: {  	[spmem:s4] =	stream.indirect.scatter.add.f32 @!p2 [tilespmem:s11], [sflag:$0x8], $0x10, s10, s12, $0xb8;
	[tilespmem:$0x1E240] =	vst v63  }
0x174: {  	_ =	swait.ge @!p4 [sflag:s14], $0x40  }
0x175: {  	[sflag:s14] =	ssyncset.done @!p4 $0x0  }
0x176: {  	[sflag:s14] =	ssyncadd.s32 @!p4 $0xFFFFFFC0  }
0x177: {  	_ =	swait.ge @!p4 [sflag:s14], $0x40  }
0x178: {  	[sflag:s14] =	ssyncset.done @!p4 $0x0  }
0x179: {  	s10 =	simm.s32 @!p3 $0x7;
	[sflag:s14] =	ssyncadd.s32 @!p4 $0xFFFFFFC0  }
0x17a: {  	_ =	swait.ge @!p3 [sflag:s10], $0x2000  }
0x17b: {  	[sflag:s10] =	ssyncset.done @!p3 $0x0  }
0x17c: {  	[sflag:s10] =	ssyncadd.s32 @!p3 $0xFFFFE000  }
0x17d: {  	_ =	swait.ge @!p3 [sflag:s10], $0x400  }
0x17e: {  	[sflag:s10] =	ssyncset.done @!p3 $0x0  }
0x17f: {  	s11 =	simm.s32 @!p4 $0x240;
	[sflag:s10] =	ssyncadd.s32 @!p3 $0xFFFFFC00;
	s10 =	simm.s32 @!p4 $0x40  }
0x180: {  	[tilespmem:s11], [sflag:$0x4] =	stream.indirect.gather @!p4 [hbm4b:s6+s10], $0x10, s13, s10, $0xb8;
	[tilespmem:$0x1E240] =	vst v63  }
0x181: {  	s11 =	simm.s32 @!p4 $0xE40  }
0x182: {  	[tilespmem:s11], [sflag:$0x4] =	stream.indirect.gather @!p4 [hbm4b:s7+s10], $0x10, s9, s10, $0xb8;
	[tilespmem:$0x1E240] =	vst v63  }
0x183: {  	s9 =	simm.s32 @!p4 $0x1A40;
	s11 =	simm.s32 @!p0 $0x6  }
0x184: {  	[tilespmem:s9], [sflag:$0x4] =	stream.indirect.gather @!p4 [hbm4b:s1+s10], $0x80, s13, s10, $0xb8;
	[tilespmem:$0x1E240] =	vst v63  }
0x185: {  	_ =	swait.ge @!p0 [sflag:s11], $0x400  }
0x186: {  	[sflag:s11] =	ssyncset.done @!p0 $0x0  }
0x187: {  	[sflag:s11] =	ssyncadd.s32 @!p0 $0xFFFFFC00  }
0x188: {  	_ =	swait.ge @!p0 [sflag:s11], $0x400  }
0x189: {  	[sflag:s11] =	ssyncset.done @!p0 $0x0  }
0x18a: {  	s25 =	sadd.s32 $0x60, s25;
	[sflag:s11] =	ssyncadd.s32 @!p0 $0xFFFFFC00  }
0x18b: {  	p1 =	sne.s32 s25, $0x13E0;
	_ =	swait.ge @!p0 [sflag:s11], $0x2000  }
.Ltmp1:
0x18c: {  	[sflag:s11] =	ssyncset.done @!p0 $0x0;
	(pc) =	sbr.rel @p1 .LBB2_4-.Ltmp1, $4  }
0x18d: {  	[sflag:s11] =	ssyncadd.s32 @!p0 $0xFFFFE000  }
0x18e: {  	v1 =	vld @!p0 [tilespmem:$0x140]  }
0x18f: {  	v2 =	vld @!p0 [tilespmem:$0x150]  }
0x190: {  	s26 =	smov.u32 s20;
	s28 =	smov.u32 s21;
	v3 =	vld @!p0 [tilespmem:$0x170]  }
0x191: {  	v4 =	vld @!p0 [tilespmem:$0x160];
	_ =	sdelay $0x1  }
0x192: {  	[tilespmem:$0x200] =	vst @!p0 v1  }
0x193: {  	p1 =	sgt.u32 s0, $0x1387;
	[tilespmem:$0x210] =	vst @!p0 v2  }
0x194: {  	s0 =	sadd.s32 @!p1 s26, s16;
	s9 =	simm.s32 @!p1 $0x40;
	[tilespmem:$0x230] =	vst @!p0 v3  }
0x195: {  	s10 =	sadd.s32 @!p1 s28, s16;
	s11 =	simm.s32 @!p1 $0x0;
	s0 =	sadd.s32 @!p1 $0x400, s0;
	[tilespmem:$0x220] =	vst @!p0 v4  }
0x196: {  	[tilespmem:s9], [sflag:$0x2] =	stream.linear.gather @!p1 [hbm4b:s0+s11], $0x40, $0x38;
	[tilespmem:$0x1E240] =	vst v63  }
0x197: {  	s0 =	sadd.s32 @!p1 $0x400, s10;
	s9 =	simm.s32 @!p1 $0x100  }
0x198: {  	[tilespmem:s9], [sflag:$0x2] =	stream.linear.gather @!p1 [hbm4b:s0+s11], $0x40, $0x38;
	[tilespmem:$0x1E240] =	vst v63  }
0x199: {  	s0 =	simm.s32 @!p0 $0x200  }
0x19a: {  	[spmem:s3] =	stream.indirect.scatter.add.f32 @!p0 [tilespmem:s22], [sflag:$0x9], $0x80, s0, s31, $0xb8;
	[tilespmem:$0x1E240] =	vst v63  }
0x19b: {  	_ = 	snop  }
0x19c: {  	[spmem:s4] =	stream.indirect.scatter.add.f32 @!p0 [tilespmem:s2], [sflag:$0x9], $0x10, s0, s31, $0xb8;
	[tilespmem:$0x1E240] =	vst v63  }
0x19d: {  	[bflag:$0x0] =	sbarrier.arrive $0xFFFF  }
0x19e: {  	s22 =	stileid.u32;
	s25 =	sld [smem:$0x7FC]  }
0x19f: {  	s0 =	sshll.u32 s22, $0x6;
	s9 =	rddreg [dreg:$0x8]  }
0x1a0: {  	s0 =	sor.u32 $0x1C0A, s0;
	s24 =	sshrl.u32 s9, $0x3  }
0x1a1: {  	[hbm:s25], [sflag:s0] =	dma.local [spmem:s24], $0x2800  }
0x1a2: {  	_ =	swait.ge [sflag:s18], $0x2800  }
0x1a3: {  	[sflag:s18] =	ssyncset.done $0x0;
	s10 =	rddreg [dreg:$0x9]  }
0x1a4: {  	s28 =	rddreg [dreg:$0x10];
	[sflag:s18] =	ssyncadd.s32 $0xFFFFD800;
	s26 =	sshrl.u32 s10, $0x3  }
0x1a5: {  	[hbm:s28], [sflag:s0] =	dma.local [spmem:s26], $0x500  }
0x1a6: {  	_ =	swait.ge [sflag:s18], $0x500  }
0x1a7: {  	s31 =	sld [smem:$0x7FD];
	_ =	sdelay $0x1  }
0x1a8: {  	s5 =	sadd.s32 $0x1, s5  }
0x1a9: {  	p0 =	sne.s32 s5, s31  }
.Ltmp2:
0x1aa: {  	_ = 	snop;
	(pc) =	sbr.rel @p0 .LBB2_1-.Ltmp2, $3  }
0x1ab: {  	_ =	sdelay $0x1  }
0x1ac: {  	[sflag:s18] =	ssyncset.done $0x0  }
0x1ad: {  	[sflag:s18] =	ssyncadd.s32 $0xFFFFFB00  }
0x1ae: {  	_ =	sfence.sel $0x180000  }
0x1af: {  	[bflag:$0x0] =	sbarrier.arrive $0xFFFF  }
0x1b0: {  	_ =	strace $0x90000047  }
0x1b1: {  	s0 =	stileid.u32;
	[bflag:$0x2] =	sbarrier.arrive $0xFFFF  }
0x1b2: {  	p0 =	sne.s32 s0, $0x0;
	s0 =	rddreg [dreg:$0x5]  }
0x1b3: {  	s0 =	sadd.s32 @!p0 $0x100000, s0  }
0x1b4: {  	[sflag:s0] =	ssyncadd.tile.s32 @!p0 $0x1;
	_ =	shalt  }
.Lfunc_end2:
_tile_overlayer_lowered:
.L_overlay_start_2:
0x1b5: {  	(tag) =	ssettag $0x2  }
0x1b6: {  	s0 =	rddreg [dreg:$0x0];
	s2 =	stileid.u32  }
0x1b7: {  	s1 =	rddreg [dreg:$0x1];
	p0 =	sne.s32 s2, $0x0  }
0x1b8: {  	s3 =	rddreg [dreg:$0x2];
	[bflag:$0x3] =	sbarrier.arrive $0xFFFF;
	s2 =	simm.s32 @!p0 $0x1C0A  }
0x1b9: {  	[timem:s3], [sflag:s2] =	dma.local @!p0 [hbm:s0], s1  }
0x1ba: {  	s0 =	simm.s32 @!p0 $0xA  }
0x1bb: {  	_ =	swait.ge @!p0 [sflag:s0], s1  }
0x1bc: {  	s1 =	ssub.s32 @!p0 $0x0, s1;
	[sflag:s0] =	ssyncset.done @!p0 $0x0  }
0x1bd: {  	[sflag:s0] =	ssyncadd.s32 @!p0 s1  }
0x1be: {  	[bflag:$0x3] =	sbarrier.arrive $0xFFFF  }
0x1bf: {  	_ =	shalt  }

</sc_bundles>
